<compile_context>
chip_gen: v7x
topology: tpu7x:2x2x1
jax: 0.10.2.dev20260603
libtpu: 0.0.44.dev20260713+nightly
codegen_flags: <defaults>
</compile_context>

<pallas_src>
import functools

import jax
import jax.numpy as jnp
from jax import lax
from jax.experimental import pallas as pl
from jax.experimental.pallas import tpu as pltpu
from jax.experimental.pallas import tpu_sc as plsc

_NC = 2
_NS = 16
_NW = _NC * _NS
_CHUNK = 128


def _sc_mesh():
    return plsc.VectorSubcoreMesh(
        core_axis_name="c", subcore_axis_name="s",
        num_cores=_NC, num_subcores=_NS)


def _prep_tables(h, xzp, Wr, Wc):
    n, f = h.shape
    hid = Wr.shape[1]
    bm = 1000

    w = 128

    def body(h_ref, x_ref, wr_ref, wc_ref, tr_ref, tc_ref):
        hb = h_ref[...]
        xb = x_ref[...]
        z = jnp.zeros((hb.shape[0], w - hid - xb.shape[1]), jnp.float32)
        tr_ref[...] = jnp.concatenate(
            [jnp.dot(hb, wr_ref[...], preferred_element_type=jnp.float32), xb,
             z], axis=1)
        tc_ref[...] = jnp.concatenate(
            [jnp.dot(hb, wc_ref[...], preferred_element_type=jnp.float32), xb,
             z], axis=1)

    return pl.pallas_call(
        body,
        grid=(n // bm,),
        in_specs=[
            pl.BlockSpec((bm, f), lambda i: (i, 0)),
            pl.BlockSpec((bm, xzp.shape[1]), lambda i: (i, 0)),
            pl.BlockSpec((f, hid), lambda i: (0, 0)),
            pl.BlockSpec((f, hid), lambda i: (0, 0)),
        ],
        out_specs=[
            pl.BlockSpec((bm, w), lambda i: (i, 0)),
            pl.BlockSpec((bm, w), lambda i: (i, 0)),
        ],
        out_shape=[jax.ShapeDtypeStruct((n, w), jnp.float32)] * 2,
    )(h, xzp, Wr, Wc)


def _sc_gather(table_r, table_c, row2d, col2d, n_chunks):
    n_pad = row2d.shape[0]
    iters = n_pad // _NW
    w = table_r.shape[1]
    e = n_pad * _CHUNK

    @functools.partial(
        pl.kernel, mesh=_sc_mesh(),
        compiler_params=pltpu.CompilerParams(use_tc_tiling_on_sc=False),
        out_type=[jax.ShapeDtypeStruct((e, w), table_r.dtype)] * 2,
        scratch_types=[
            pltpu.VMEM((_CHUNK,), jnp.int32),
            pltpu.VMEM((_CHUNK,), jnp.int32),
            pltpu.VMEM((_CHUNK, w), table_r.dtype),
            pltpu.VMEM((_CHUNK, w), table_r.dtype),
            pltpu.SemaphoreType.DMA,
            pltpu.SemaphoreType.DMA,
        ],
    )
    def k(tr_hbm, tc_hbm, row_hbm, col_hbm, gr_hbm, gc_hbm,
          idx_r, idx_c, rows_r, rows_c, sem_r, sem_c):
        wid = lax.axis_index("s") * _NC + lax.axis_index("c")

        def step(i, carry):
            cid = wid * iters + i
            pltpu.sync_copy(row_hbm.at[cid], idx_r)
            pltpu.sync_copy(col_hbm.at[cid], idx_c)
            cpy_r = pltpu.async_copy(tr_hbm.at[idx_r], rows_r, sem_r)
            cpy_c = pltpu.async_copy(tc_hbm.at[idx_c], rows_c, sem_c)
            cpy_r.wait()
            cpy_c.wait()
            base = cid * _CHUNK
            pltpu.sync_copy(rows_r, gr_hbm.at[pl.ds(base, _CHUNK)])
            pltpu.sync_copy(rows_c, gc_hbm.at[pl.ds(base, _CHUNK)])
            return carry

        lax.fori_loop(0, iters, step, 0)

    return k(table_r, table_c, row2d, col2d)


def _edge_mlp(gr, gc, ea, wd, Wa, b1, W2, b2):
    e, w = gr.shape
    hid = W2.shape[0]
    a = ea.shape[1]
    be = 4096
    eps = 1e-6

    def body(gr_ref, gc_ref, ea_ref, wd_ref, wa_ref, b1_ref, w2_ref, b2_ref,
             out_ref):
        grb = gr_ref[...]
        gcb = gc_ref[...]
        hr = grb[:, :hid].astype(jnp.float32)
        hc = gcb[:, :hid].astype(jnp.float32)
        xr = grb[:, hid:hid + 16].astype(jnp.float32)
        xc = gcb[:, hid:hid + 16].astype(jnp.float32)
        pd = xr - xc
        d2 = jnp.sum(pd * pd, axis=1, keepdims=True)
        z1 = xr[:, 2:3]
        z2 = xc[:, 2:3]
        arg = 1.0 + d2 / (2.0 * z1 * z2 + eps) + eps
        dist = jnp.log(arg + jnp.sqrt((arg - 1.0) * (arg + 1.0)))
        e1 = (hr + hc + dist * wd_ref[...]
              + jnp.dot(ea_ref[...], wa_ref[...],
                        preferred_element_type=jnp.float32)
              + b1_ref[...])
        u = e1 * jax.nn.sigmoid(e1)
        m = jnp.dot(u, w2_ref[...], preferred_element_type=jnp.float32) \
            + b2_ref[...]
        m = m * jax.nn.sigmoid(m)
        extra = (lax.broadcasted_iota(jnp.int32, (be, w - hid), 1) == 0)
        out_ref[...] = jnp.concatenate([m, extra.astype(jnp.float32)], axis=1)

    return pl.pallas_call(
        body,
        grid=(e // be,),
        in_specs=[
            pl.BlockSpec((be, w), lambda i: (i, 0)),
            pl.BlockSpec((be, w), lambda i: (i, 0)),
            pl.BlockSpec((be, a), lambda i: (i, 0)),
            pl.BlockSpec((1, hid), lambda i: (0, 0)),
            pl.BlockSpec((a, hid), lambda i: (0, 0)),
            pl.BlockSpec((1, hid), lambda i: (0, 0)),
            pl.BlockSpec((hid, hid), lambda i: (0, 0)),
            pl.BlockSpec((1, hid), lambda i: (0, 0)),
        ],
        out_specs=pl.BlockSpec((be, w), lambda i: (i, 0)),
        out_shape=jax.ShapeDtypeStruct((e, w), jnp.float32),
    )(gr, gc, ea, wd, Wa, b1, W2, b2)


def _sc_scatter(m_ext, row2d, zeros_slab, n_chunks):
    iters = row2d.shape[0] // _NW
    w = m_ext.shape[1]
    rows_per_tile = zeros_slab.shape[0]
    n = rows_per_tile * _NS

    @functools.partial(
        pl.kernel, mesh=_sc_mesh(),
        compiler_params=pltpu.CompilerParams(use_tc_tiling_on_sc=False),
        out_type=jax.ShapeDtypeStruct((_NC, n, w), jnp.float32),
        scratch_types=[
            pltpu.VMEM((_CHUNK,), jnp.int32),
            pltpu.VMEM((_CHUNK, w), jnp.float32),
            pltpu.VMEM_SHARED((n, w), jnp.float32),
        ],
    )
    def k(m_hbm, row_hbm, z_hbm, out_hbm, idx_v, mbuf, acc):
        c = lax.axis_index("c")
        s = lax.axis_index("s")
        wid = s * _NC + c
        r0 = s * rows_per_tile
        pltpu.sync_copy(z_hbm, acc.at[pl.ds(r0, rows_per_tile)])
        plsc.subcore_barrier()

        def step(i, carry):
            cid = wid * iters + i

            @pl.when(cid < n_chunks)
            def _():
                pltpu.sync_copy(row_hbm.at[cid], idx_v)
                pltpu.sync_copy(m_hbm.at[pl.ds(cid * _CHUNK, _CHUNK)], mbuf)
                pltpu.sync_copy(mbuf, acc.at[idx_v], add=True)

            return carry

        lax.fori_loop(0, iters, step, 0)
        plsc.subcore_barrier()
        pltpu.sync_copy(acc.at[pl.ds(r0, rows_per_tile)],
                        out_hbm.at[c, pl.ds(r0, rows_per_tile)])

    return k(m_ext, row2d, zeros_slab)


def _node_mlp(h, nom0, nom1, W1h, W1a, b1, W2, b2):
    n, f = h.shape
    hid = W1h.shape[1]
    w = nom0.shape[1]
    bn = 1000

    def body(h_ref, n0_ref, n1_ref, w1h_ref, w1a_ref, b1_ref, w2_ref, b2_ref,
             out_ref):
        hb = h_ref[...]
        ns = n0_ref[...] + n1_ref[...]
        den = jnp.maximum(ns[:, hid:hid + 1], 1.0)
        agg = ns[:, :hid] / den
        t = (jnp.dot(hb, w1h_ref[...], preferred_element_type=jnp.float32)
             + jnp.dot(agg, w1a_ref[...], preferred_element_type=jnp.float32)
             + b1_ref[...])
        t = t * jax.nn.sigmoid(t)
        out_ref[...] = hb + jnp.dot(t, w2_ref[...],
                                    preferred_element_type=jnp.float32) \
            + b2_ref[...]

    return pl.pallas_call(
        body,
        grid=(n // bn,),
        in_specs=[
            pl.BlockSpec((bn, f), lambda i: (i, 0)),
            pl.BlockSpec((bn, w), lambda i: (i, 0)),
            pl.BlockSpec((bn, w), lambda i: (i, 0)),
            pl.BlockSpec((f, hid), lambda i: (0, 0)),
            pl.BlockSpec((hid, hid), lambda i: (0, 0)),
            pl.BlockSpec((1, hid), lambda i: (0, 0)),
            pl.BlockSpec((hid, f), lambda i: (0, 0)),
            pl.BlockSpec((1, f), lambda i: (0, 0)),
        ],
        out_specs=pl.BlockSpec((bn, f), lambda i: (i, 0)),
        out_shape=jax.ShapeDtypeStruct((n, f), jnp.float32),
    )(h, nom0, nom1, W1h, W1a, b1, W2, b2)


def kernel(xz, h, edge_index, edge_attr, We1, be1, We2, be2, Wn1, bn1, Wn2,
           bn2):
    n, f = h.shape
    hid = We2.shape[0]
    row = edge_index[0]
    col = edge_index[1]
    xzp = jnp.pad(xz, ((0, 0), (0, 16 - xz.shape[1])))

    table_r, table_c = _prep_tables(h, xzp, We1[:f], We1[f:2 * f])
    n_chunks = row.shape[0] // _CHUNK
    iters = (n_chunks + _NW - 1) // _NW
    pad_chunks = iters * _NW - n_chunks
    row2d = jnp.pad(row.reshape(-1, _CHUNK), ((0, pad_chunks), (0, 0)))
    col2d = jnp.pad(col.reshape(-1, _CHUNK), ((0, pad_chunks), (0, 0)))
    e_pad = iters * _NW * _CHUNK
    ea_pad = jnp.pad(edge_attr, ((0, e_pad - row.shape[0]), (0, 0)))
    gr, gc = _sc_gather(table_r, table_c, row2d, col2d, n_chunks)

    m_ext = _edge_mlp(gr, gc, ea_pad, We1[2 * f][None, :], We1[2 * f + 1:],
                      be1[None, :], We2, be2[None, :])

    zeros_slab = jnp.zeros((n // _NS, 128), jnp.float32)
    nom_p = _sc_scatter(m_ext, row2d, zeros_slab, n_chunks)

    return _node_mlp(h, nom_p[0], nom_p[1], Wn1[:f], Wn1[f:], bn1[None, :],
                     Wn2, bn2[None, :])

# --- scband reference (transcript-rebuilt; emitter-appended) ---
"""Pipeline reference for scband-ad-s-gcl-73177652789489 (READ-ONLY COPY).

The authoritative reference and input builder live on the scoring server;
editing this copy changes nothing except your own understanding.
"""

import jax, jax.numpy as jnp
import numpy as np

N, E, F, HID, A = 10000, 320000, 128, 64, 4

def ads_distance_xz(p1, p2, eps=1e-6):
    # AdS (hyperbolic upper-half-space) geodesic distance; last coordinate is z > 0.
    d2 = jnp.sum((p1 - p2) ** 2, axis=-1)
    z1 = p1[..., -1]
    z2 = p2[..., -1]
    arg = 1.0 + d2 / (2.0 * z1 * z2 + eps) + eps
    return jnp.arccosh(arg)

def setup_inputs(seed: int = 0):
    key = jax.random.key(seed)
    ks = jax.random.split(key, 16)
    xz = jax.random.uniform(ks[0], (N, 3), dtype=jnp.float32)
    h = jax.random.normal(ks[1], (N, F), dtype=jnp.float32)
    edge_index = jax.random.randint(ks[2], (2, E), 0, N, dtype=jnp.int32)
    edge_attr = jax.random.normal(ks[3], (E, A), dtype=jnp.float32)
    d_in_e = 2 * F + 1 + A
    We1 = jax.random.normal(ks[4], (d_in_e, HID), dtype=jnp.float32) / np.sqrt(d_in_e)
    be1 = jnp.full((HID,), 0.1, dtype=jnp.float32)
    We2 = jax.random.normal(ks[5], (HID, HID), dtype=jnp.float32) / np.sqrt(HID)
    be2 = jnp.full((HID,), 0.1, dtype=jnp.float32)
    Wn1 = jax.random.normal(ks[6], (HID + F, HID), dtype=jnp.float32) / np.sqrt(HID + F)
    bn1 = jnp.full((HID,), 0.1, dtype=jnp.float32)
    Wn2 = jax.random.normal(ks[7], (HID, F), dtype=jnp.float32) / np.sqrt(HID)
    bn2 = jnp.full((F,), 0.1, dtype=jnp.float32)
    return {"xz": xz, "h": h, "edge_index": edge_index, "edge_attr": edge_attr,
            "We1": We1, "be1": be1, "We2": We2, "be2": be2,
            "Wn1": Wn1, "bn1": bn1, "Wn2": Wn2, "bn2": bn2}

def reference(xz, h, edge_index, edge_attr, We1, be1, We2, be2, Wn1, bn1, Wn2, bn2):
    row = edge_index[0]
    col = edge_index[1]
    # coord2dist
    dist = ads_distance_xz(xz[row], xz[col])[:, None]
    # edge_model
    e_in = jnp.concatenate([h[row], h[col], dist, edge_attr], axis=1)
    m = jax.nn.silu(e_in @ We1 + be1)
    m = jax.nn.silu(m @ We2 + be2)
    # node_model: segment_mean over destination (row)
    num_seg = h.shape[0]
    nom = jax.ops.segment_sum(m, row, num_segments=num_seg)
    den = jax.ops.segment_sum(jnp.ones_like(m), row, num_segments=num_seg)
    agg = nom / jnp.maximum(den, jnp.ones((), dtype=den.dtype))
    n_in = jnp.concatenate([h, agg], axis=1)
    out = jax.nn.silu(n_in @ Wn1 + bn1)
    out = out @ Wn2 + bn2
    # residual
    return h + out

if __name__ == "__main__":
    import jax
    _d = setup_inputs()
    print(jax.jit(kernel)(*tuple(_d.values())))

</pallas_src>

<mosaic_0001>
#map = affine_map<(d0, d1) -> (0, 0)>
module attributes {stable_mosaic.version = 14 : i64} {
  func.func @k(%arg0: i32, %arg1: i32, %arg2: memref<10000x128xf32, #tpu.memory_space<hbm>>, %arg3: memref<10000x128xf32, #tpu.memory_space<hbm>>, %arg4: memref<2528x128xi32, #tpu.memory_space<hbm>>, %arg5: memref<2528x128xi32, #tpu.memory_space<hbm>>, %arg6: memref<323584x128xf32, #tpu.memory_space<hbm>>, %arg7: memref<323584x128xf32, #tpu.memory_space<hbm>>, %arg8: memref<128xi32, #tpu.memory_space<vmem>>, %arg9: memref<128xi32, #tpu.memory_space<vmem>>, %arg10: memref<128x128xf32, #tpu.memory_space<vmem>>, %arg11: memref<128x128xf32, #tpu.memory_space<vmem>>, %arg12: memref<!tpu.dma_semaphore, #tpu.memory_space<semaphore_mem>>, %arg13: memref<!tpu.dma_semaphore, #tpu.memory_space<semaphore_mem>>) attributes {dimension_semantics = [#tpu.dimension_semantics<core_parallel>, #tpu.dimension_semantics<subcore_parallel>], iteration_bounds = array<i64: 2, 16>, scalar_prefetch = 0 : i64, scratch_operands = 6 : i64, tpu.core_type = #tpu.core_type<sc_vector_subcore>, window_params = [{transform_indices = #map}, {transform_indices = #map}, {transform_indices = #map}, {transform_indices = #map}, {transform_indices = #map}, {transform_indices = #map}]} {
    %mul3A = arith.constant 2 : i32
    %mul3A_0 = arith.muli %arg1, %mul3A : i32
    %add3A = arith.addi %mul3A_0, %arg0 : i32
    %scan3A = arith.constant 0 : i32
    %scan3A_1 = arith.constant 0 : i32
    %scan3A_2 = arith.constant 79 : i32
    %scan3A_3 = arith.addi %scan3A_1, %scan3A_2 : i32
    %scan3A_4 = arith.constant 1 : i32
    scf.for %scan3A_6 = %scan3A_1 to %scan3A_3 step %scan3A_4  : i32 {
      %mul3A_7 = arith.constant 79 : i32
      %mul3A_8 = arith.muli %add3A, %mul3A_7 : i32
      %add3A_9 = arith.addi %mul3A_8, %scan3A_6 : i32
      "tpu.region"() ({
        %run_scoped3A = tpu.sem_alloc : memref<!tpu.dma_semaphore, #tpu.memory_space<semaphore_mem>>
        %dma_start3A_22 = arith.constant 0 : i32
        %dma_start3A_23 = tpu.memref_slice %arg4[%add3A_9, %dma_start3A_22] : memref<2528x128xi32, #tpu.memory_space<hbm>> -> memref<1x128xi32, #tpu.memory_space<hbm>>
        %dma_start3A_24 = tpu.memref_squeeze %dma_start3A_23 : memref<1x128xi32, #tpu.memory_space<hbm>> -> memref<128xi32, #tpu.memory_space<hbm>>
        %dma_start3A_25 = arith.constant 0 : i32
        %dma_start3A_26 = tpu.memref_slice %arg4[%add3A_9, %dma_start3A_25] : memref<2528x128xi32, #tpu.memory_space<hbm>> -> memref<1x128xi32, #tpu.memory_space<hbm>>
        %dma_start3A_27 = tpu.memref_squeeze %dma_start3A_26 : memref<1x128xi32, #tpu.memory_space<hbm>> -> memref<128xi32, #tpu.memory_space<hbm>>
        tpu.enqueue_dma source(%dma_start3A_27 : memref<128xi32, #tpu.memory_space<hbm>>) target(%arg8 : memref<128xi32, #tpu.memory_space<vmem>>) target_semaphore(%run_scoped3A : memref<!tpu.dma_semaphore, #tpu.memory_space<semaphore_mem>>)
        %dma_wait3A_28 = arith.constant 0 : i32
        %dma_wait3A_29 = tpu.memref_slice %arg4[%add3A_9, %dma_wait3A_28] : memref<2528x128xi32, #tpu.memory_space<hbm>> -> memref<1x128xi32, #tpu.memory_space<hbm>>
        %dma_wait3A_30 = tpu.memref_squeeze %dma_wait3A_29 : memref<1x128xi32, #tpu.memory_space<hbm>> -> memref<128xi32, #tpu.memory_space<hbm>>
        %dma_wait3A_31 = arith.constant 0 : i32
        %dma_wait3A_32 = tpu.memref_slice %arg4[%add3A_9, %dma_wait3A_31] : memref<2528x128xi32, #tpu.memory_space<hbm>> -> memref<1x128xi32, #tpu.memory_space<hbm>>
        %dma_wait3A_33 = tpu.memref_squeeze %dma_wait3A_32 : memref<1x128xi32, #tpu.memory_space<hbm>> -> memref<128xi32, #tpu.memory_space<hbm>>
        tpu.wait_dma2 semaphore(%run_scoped3A : memref<!tpu.dma_semaphore, #tpu.memory_space<semaphore_mem>>) src(%dma_wait3A_33 : memref<128xi32, #tpu.memory_space<hbm>>) dst(%arg8 : memref<128xi32, #tpu.memory_space<vmem>>)
        tpu.yield
      }) : () -> ()
      "tpu.region"() ({
        %run_scoped3A = tpu.sem_alloc : memref<!tpu.dma_semaphore, #tpu.memory_space<semaphore_mem>>
        %dma_start3A_22 = arith.constant 0 : i32
        %dma_start3A_23 = tpu.memref_slice %arg5[%add3A_9, %dma_start3A_22] : memref<2528x128xi32, #tpu.memory_space<hbm>> -> memref<1x128xi32, #tpu.memory_space<hbm>>
        %dma_start3A_24 = tpu.memref_squeeze %dma_start3A_23 : memref<1x128xi32, #tpu.memory_space<hbm>> -> memref<128xi32, #tpu.memory_space<hbm>>
        %dma_start3A_25 = arith.constant 0 : i32
        %dma_start3A_26 = tpu.memref_slice %arg5[%add3A_9, %dma_start3A_25] : memref<2528x128xi32, #tpu.memory_space<hbm>> -> memref<1x128xi32, #tpu.memory_space<hbm>>
        %dma_start3A_27 = tpu.memref_squeeze %dma_start3A_26 : memref<1x128xi32, #tpu.memory_space<hbm>> -> memref<128xi32, #tpu.memory_space<hbm>>
        tpu.enqueue_dma source(%dma_start3A_27 : memref<128xi32, #tpu.memory_space<hbm>>) target(%arg9 : memref<128xi32, #tpu.memory_space<vmem>>) target_semaphore(%run_scoped3A : memref<!tpu.dma_semaphore, #tpu.memory_space<semaphore_mem>>)
        %dma_wait3A_28 = arith.constant 0 : i32
        %dma_wait3A_29 = tpu.memref_slice %arg5[%add3A_9, %dma_wait3A_28] : memref<2528x128xi32, #tpu.memory_space<hbm>> -> memref<1x128xi32, #tpu.memory_space<hbm>>
        %dma_wait3A_30 = tpu.memref_squeeze %dma_wait3A_29 : memref<1x128xi32, #tpu.memory_space<hbm>> -> memref<128xi32, #tpu.memory_space<hbm>>
        %dma_wait3A_31 = arith.constant 0 : i32
        %dma_wait3A_32 = tpu.memref_slice %arg5[%add3A_9, %dma_wait3A_31] : memref<2528x128xi32, #tpu.memory_space<hbm>> -> memref<1x128xi32, #tpu.memory_space<hbm>>
        %dma_wait3A_33 = tpu.memref_squeeze %dma_wait3A_32 : memref<1x128xi32, #tpu.memory_space<hbm>> -> memref<128xi32, #tpu.memory_space<hbm>>
        tpu.wait_dma2 semaphore(%run_scoped3A : memref<!tpu.dma_semaphore, #tpu.memory_space<semaphore_mem>>) src(%dma_wait3A_33 : memref<128xi32, #tpu.memory_space<hbm>>) dst(%arg9 : memref<128xi32, #tpu.memory_space<vmem>>)
        tpu.yield
      }) : () -> ()
      %dma_start3A = arith.constant 0 : i32
      %dma_start3A_10 = arith.constant 0 : i32
      %dma_start3A_11 = tpu.memref_slice %arg2[%dma_start3A, %dma_start3A_10] : memref<10000x128xf32, #tpu.memory_space<hbm>> -> memref<10000x128xf32, #tpu.memory_space<hbm>>
      tpu.enqueue_indirect_dma source(%dma_start3A_11 : memref<10000x128xf32, #tpu.memory_space<hbm>>) target(%arg10 : memref<128x128xf32, #tpu.memory_space<vmem>>) offsets(%arg8 : memref<128xi32, #tpu.memory_space<vmem>>) semaphore(%arg12 : memref<!tpu.dma_semaphore, #tpu.memory_space<semaphore_mem>>)
      %dma_start3A_12 = arith.constant 0 : i32
      %dma_start3A_13 = arith.constant 0 : i32
      %dma_start3A_14 = tpu.memref_slice %arg3[%dma_start3A_12, %dma_start3A_13] : memref<10000x128xf32, #tpu.memory_space<hbm>> -> memref<10000x128xf32, #tpu.memory_space<hbm>>
      tpu.enqueue_indirect_dma source(%dma_start3A_14 : memref<10000x128xf32, #tpu.memory_space<hbm>>) target(%arg11 : memref<128x128xf32, #tpu.memory_space<vmem>>) offsets(%arg9 : memref<128xi32, #tpu.memory_space<vmem>>) semaphore(%arg13 : memref<!tpu.dma_semaphore, #tpu.memory_space<semaphore_mem>>)
      %dma_wait3A = arith.constant 0 : i32
      %dma_wait3A_15 = arith.constant 0 : i32
      %dma_wait3A_16 = tpu.memref_slice %arg2[%dma_wait3A, %dma_wait3A_15] : memref<10000x128xf32, #tpu.memory_space<hbm>> -> memref<10000x128xf32, #tpu.memory_space<hbm>>
      tpu.wait_indirect_dma semaphore(%arg12 : memref<!tpu.dma_semaphore, #tpu.memory_space<semaphore_mem>>) src(%dma_wait3A_16 : memref<10000x128xf32, #tpu.memory_space<hbm>>) dst(%arg10 : memref<128x128xf32, #tpu.memory_space<vmem>>)
      %dma_wait3A_17 = arith.constant 0 : i32
      %dma_wait3A_18 = arith.constant 0 : i32
      %dma_wait3A_19 = tpu.memref_slice %arg3[%dma_wait3A_17, %dma_wait3A_18] : memref<10000x128xf32, #tpu.memory_space<hbm>> -> memref<10000x128xf32, #tpu.memory_space<hbm>>
      tpu.wait_indirect_dma semaphore(%arg13 : memref<!tpu.dma_semaphore, #tpu.memory_space<semaphore_mem>>) src(%dma_wait3A_19 : memref<10000x128xf32, #tpu.memory_space<hbm>>) dst(%arg11 : memref<128x128xf32, #tpu.memory_space<vmem>>)
      %mul3A_20 = arith.constant 128 : i32
      %mul3A_21 = arith.muli %add3A_9, %mul3A_20 : i32
      "tpu.region"() ({
        %run_scoped3A = tpu.sem_alloc : memref<!tpu.dma_semaphore, #tpu.memory_space<semaphore_mem>>
        %dma_start3A_22 = arith.constant 0 : i32
        %dma_start3A_23 = tpu.memref_slice %arg6[%mul3A_21, %dma_start3A_22] : memref<323584x128xf32, #tpu.memory_space<hbm>> -> memref<128x128xf32, #tpu.memory_space<hbm>>
        %dma_start3A_24 = arith.constant 0 : i32
        %dma_start3A_25 = tpu.memref_slice %arg6[%mul3A_21, %dma_start3A_24] : memref<323584x128xf32, #tpu.memory_space<hbm>> -> memref<128x128xf32, #tpu.memory_space<hbm>>
        tpu.enqueue_dma source(%arg10 : memref<128x128xf32, #tpu.memory_space<vmem>>) target(%dma_start3A_25 : memref<128x128xf32, #tpu.memory_space<hbm>>) target_semaphore(%run_scoped3A : memref<!tpu.dma_semaphore, #tpu.memory_space<semaphore_mem>>)
        %dma_wait3A_26 = arith.constant 0 : i32
        %dma_wait3A_27 = tpu.memref_slice %arg6[%mul3A_21, %dma_wait3A_26] : memref<323584x128xf32, #tpu.memory_space<hbm>> -> memref<128x128xf32, #tpu.memory_space<hbm>>
        %dma_wait3A_28 = arith.constant 0 : i32
        %dma_wait3A_29 = tpu.memref_slice %arg6[%mul3A_21, %dma_wait3A_28] : memref<323584x128xf32, #tpu.memory_space<hbm>> -> memref<128x128xf32, #tpu.memory_space<hbm>>
        tpu.wait_dma2 semaphore(%run_scoped3A : memref<!tpu.dma_semaphore, #tpu.memory_space<semaphore_mem>>) src(%arg10 : memref<128x128xf32, #tpu.memory_space<vmem>>) dst(%dma_wait3A_29 : memref<128x128xf32, #tpu.memory_space<hbm>>)
        tpu.yield
      }) : () -> ()
      "tpu.region"() ({
        %run_scoped3A = tpu.sem_alloc : memref<!tpu.dma_semaphore, #tpu.memory_space<semaphore_mem>>
        %dma_start3A_22 = arith.constant 0 : i32
        %dma_start3A_23 = tpu.memref_slice %arg7[%mul3A_21, %dma_start3A_22] : memref<323584x128xf32, #tpu.memory_space<hbm>> -> memref<128x128xf32, #tpu.memory_space<hbm>>
        %dma_start3A_24 = arith.constant 0 : i32
        %dma_start3A_25 = tpu.memref_slice %arg7[%mul3A_21, %dma_start3A_24] : memref<323584x128xf32, #tpu.memory_space<hbm>> -> memref<128x128xf32, #tpu.memory_space<hbm>>
        tpu.enqueue_dma source(%arg11 : memref<128x128xf32, #tpu.memory_space<vmem>>) target(%dma_start3A_25 : memref<128x128xf32, #tpu.memory_space<hbm>>) target_semaphore(%run_scoped3A : memref<!tpu.dma_semaphore, #tpu.memory_space<semaphore_mem>>)
        %dma_wait3A_26 = arith.constant 0 : i32
        %dma_wait3A_27 = tpu.memref_slice %arg7[%mul3A_21, %dma_wait3A_26] : memref<323584x128xf32, #tpu.memory_space<hbm>> -> memref<128x128xf32, #tpu.memory_space<hbm>>
        %dma_wait3A_28 = arith.constant 0 : i32
        %dma_wait3A_29 = tpu.memref_slice %arg7[%mul3A_21, %dma_wait3A_28] : memref<323584x128xf32, #tpu.memory_space<hbm>> -> memref<128x128xf32, #tpu.memory_space<hbm>>
        tpu.wait_dma2 semaphore(%run_scoped3A : memref<!tpu.dma_semaphore, #tpu.memory_space<semaphore_mem>>) src(%arg11 : memref<128x128xf32, #tpu.memory_space<vmem>>) dst(%dma_wait3A_29 : memref<128x128xf32, #tpu.memory_space<hbm>>)
        tpu.yield
      }) : () -> ()
    }
    %scan3A_5 = arith.constant 79 : i32
    return
  }
}

#map = affine_map<(d0, d1) -> (0, 0)>
#map1 = affine_map<(d0, d1) -> (0, 0, 0)>
module attributes {stable_mosaic.version = 14 : i64} {
  func.func @k(%arg0: i32, %arg1: i32, %arg2: memref<323584x128xf32, #tpu.memory_space<hbm>>, %arg3: memref<2528x128xi32, #tpu.memory_space<hbm>>, %arg4: memref<625x128xf32, #tpu.memory_space<hbm>>, %arg5: memref<2x10000x128xf32, #tpu.memory_space<hbm>>, %arg6: memref<128xi32, #tpu.memory_space<vmem>>, %arg7: memref<128x128xf32, #tpu.memory_space<vmem>>, %arg8: memref<10000x128xf32, #tpu.memory_space<vmem_shared>>) attributes {dimension_semantics = [#tpu.dimension_semantics<core_parallel>, #tpu.dimension_semantics<subcore_parallel>], iteration_bounds = array<i64: 2, 16>, scalar_prefetch = 0 : i64, scratch_operands = 3 : i64, tpu.core_type = #tpu.core_type<sc_vector_subcore>, window_params = [{transform_indices = #map}, {transform_indices = #map}, {transform_indices = #map}, {transform_indices = #map1}]} {
    %mul3A = arith.constant 2 : i32
    %mul3A_0 = arith.muli %arg1, %mul3A : i32
    %add3A = arith.addi %mul3A_0, %arg0 : i32
    %mul3A_1 = arith.constant 625 : i32
    %mul3A_2 = arith.muli %arg1, %mul3A_1 : i32
    "tpu.region"() ({
      %run_scoped3A = tpu.sem_alloc : memref<!tpu.dma_semaphore, #tpu.memory_space<semaphore_mem>>
      %dma_start3A = arith.constant 0 : i32
      %dma_start3A_9 = tpu.memref_slice %arg8[%mul3A_2, %dma_start3A] : memref<10000x128xf32, #tpu.memory_space<vmem_shared>> -> memref<625x128xf32, #tpu.memory_space<vmem_shared>>
      tpu.enqueue_dma source(%arg4 : memref<625x128xf32, #tpu.memory_space<hbm>>) target(%dma_start3A_9 : memref<625x128xf32, #tpu.memory_space<vmem_shared>>) target_semaphore(%run_scoped3A : memref<!tpu.dma_semaphore, #tpu.memory_space<semaphore_mem>>)
      %dma_wait3A = arith.constant 0 : i32
      %dma_wait3A_10 = tpu.memref_slice %arg8[%mul3A_2, %dma_wait3A] : memref<10000x128xf32, #tpu.memory_space<vmem_shared>> -> memref<625x128xf32, #tpu.memory_space<vmem_shared>>
      tpu.wait_dma2 semaphore(%run_scoped3A : memref<!tpu.dma_semaphore, #tpu.memory_space<semaphore_mem>>) src(%arg4 : memref<625x128xf32, #tpu.memory_space<hbm>>) dst(%dma_wait3A_10 : memref<625x128xf32, #tpu.memory_space<vmem_shared>>)
      tpu.yield
    }) : () -> ()
    %barrier3A = arith.constant 0 : index
    tpu.barrier barrier_id(%barrier3A)
    %scan3A = arith.constant 0 : i32
    %scan3A_3 = arith.constant 0 : i32
    %scan3A_4 = arith.constant 79 : i32
    %scan3A_5 = arith.addi %scan3A_3, %scan3A_4 : i32
    %scan3A_6 = arith.constant 1 : i32
    scf.for %scan3A_9 = %scan3A_3 to %scan3A_5 step %scan3A_6  : i32 {
      %mul3A_10 = arith.constant 79 : i32
      %mul3A_11 = arith.muli %add3A, %mul3A_10 : i32
      %add3A_12 = arith.addi %mul3A_11, %scan3A_9 : i32
      %lt3A = arith.constant 2500 : i32
      %lt3A_13 = arith.cmpi slt, %add3A_12, %lt3A : i32
      %convert_element_type3A = arith.extui %lt3A_13 : i1 to i32
      %cond3A = arith.constant 0 : i32
      %cond3A_14 = arith.cmpi ne, %convert_element_type3A, %cond3A : i32
      scf.if %cond3A_14 {
        "tpu.region"() ({
          %run_scoped3A = tpu.sem_alloc : memref<!tpu.dma_semaphore, #tpu.memory_space<semaphore_mem>>
          %dma_start3A = arith.constant 0 : i32
          %dma_start3A_17 = tpu.memref_slice %arg3[%add3A_12, %dma_start3A] : memref<2528x128xi32, #tpu.memory_space<hbm>> -> memref<1x128xi32, #tpu.memory_space<hbm>>
          %dma_start3A_18 = tpu.memref_squeeze %dma_start3A_17 : memref<1x128xi32, #tpu.memory_space<hbm>> -> memref<128xi32, #tpu.memory_space<hbm>>
          %dma_start3A_19 = arith.constant 0 : i32
          %dma_start3A_20 = tpu.memref_slice %arg3[%add3A_12, %dma_start3A_19] : memref<2528x128xi32, #tpu.memory_space<hbm>> -> memref<1x128xi32, #tpu.memory_space<hbm>>
          %dma_start3A_21 = tpu.memref_squeeze %dma_start3A_20 : memref<1x128xi32, #tpu.memory_space<hbm>> -> memref<128xi32, #tpu.memory_space<hbm>>
          tpu.enqueue_dma source(%dma_start3A_21 : memref<128xi32, #tpu.memory_space<hbm>>) target(%arg6 : memref<128xi32, #tpu.memory_space<vmem>>) target_semaphore(%run_scoped3A : memref<!tpu.dma_semaphore, #tpu.memory_space<semaphore_mem>>)
          %dma_wait3A = arith.constant 0 : i32
          %dma_wait3A_22 = tpu.memref_slice %arg3[%add3A_12, %dma_wait3A] : memref<2528x128xi32, #tpu.memory_space<hbm>> -> memref<1x128xi32, #tpu.memory_space<hbm>>
          %dma_wait3A_23 = tpu.memref_squeeze %dma_wait3A_22 : memref<1x128xi32, #tpu.memory_space<hbm>> -> memref<128xi32, #tpu.memory_space<hbm>>
          %dma_wait3A_24 = arith.constant 0 : i32
          %dma_wait3A_25 = tpu.memref_slice %arg3[%add3A_12, %dma_wait3A_24] : memref<2528x128xi32, #tpu.memory_space<hbm>> -> memref<1x128xi32, #tpu.memory_space<hbm>>
          %dma_wait3A_26 = tpu.memref_squeeze %dma_wait3A_25 : memref<1x128xi32, #tpu.memory_space<hbm>> -> memref<128xi32, #tpu.memory_space<hbm>>
          tpu.wait_dma2 semaphore(%run_scoped3A : memref<!tpu.dma_semaphore, #tpu.memory_space<semaphore_mem>>) src(%dma_wait3A_26 : memref<128xi32, #tpu.memory_space<hbm>>) dst(%arg6 : memref<128xi32, #tpu.memory_space<vmem>>)
          tpu.yield
        }) : () -> ()
        %mul3A_15 = arith.constant 128 : i32
        %mul3A_16 = arith.muli %add3A_12, %mul3A_15 : i32
        "tpu.region"() ({
          %run_scoped3A = tpu.sem_alloc : memref<!tpu.dma_semaphore, #tpu.memory_space<semaphore_mem>>
          %dma_start3A = arith.constant 0 : i32
          %dma_start3A_17 = tpu.memref_slice %arg2[%mul3A_16, %dma_start3A] : memref<323584x128xf32, #tpu.memory_space<hbm>> -> memref<128x128xf32, #tpu.memory_space<hbm>>
          %dma_start3A_18 = arith.constant 0 : i32
          %dma_start3A_19 = tpu.memref_slice %arg2[%mul3A_16, %dma_start3A_18] : memref<323584x128xf32, #tpu.memory_space<hbm>> -> memref<128x128xf32, #tpu.memory_space<hbm>>
          tpu.enqueue_dma source(%dma_start3A_19 : memref<128x128xf32, #tpu.memory_space<hbm>>) target(%arg7 : memref<128x128xf32, #tpu.memory_space<vmem>>) target_semaphore(%run_scoped3A : memref<!tpu.dma_semaphore, #tpu.memory_space<semaphore_mem>>)
          %dma_wait3A = arith.constant 0 : i32
          %dma_wait3A_20 = tpu.memref_slice %arg2[%mul3A_16, %dma_wait3A] : memref<323584x128xf32, #tpu.memory_space<hbm>> -> memref<128x128xf32, #tpu.memory_space<hbm>>
          %dma_wait3A_21 = arith.constant 0 : i32
          %dma_wait3A_22 = tpu.memref_slice %arg2[%mul3A_16, %dma_wait3A_21] : memref<323584x128xf32, #tpu.memory_space<hbm>> -> memref<128x128xf32, #tpu.memory_space<hbm>>
          tpu.wait_dma2 semaphore(%run_scoped3A : memref<!tpu.dma_semaphore, #tpu.memory_space<semaphore_mem>>) src(%dma_wait3A_22 : memref<128x128xf32, #tpu.memory_space<hbm>>) dst(%arg7 : memref<128x128xf32, #tpu.memory_space<vmem>>)
          tpu.yield
        }) : () -> ()
        "tpu.region"() ({
          %run_scoped3A = tpu.sem_alloc : memref<!tpu.dma_semaphore, #tpu.memory_space<semaphore_mem>>
          %dma_start3A = arith.constant 0 : i32
          %dma_start3A_17 = arith.constant 0 : i32
          %dma_start3A_18 = tpu.memref_slice %arg8[%dma_start3A, %dma_start3A_17] : memref<10000x128xf32, #tpu.memory_space<vmem_shared>> -> memref<10000x128xf32, #tpu.memory_space<vmem_shared>>
          tpu.enqueue_indirect_dma source(%arg7 : memref<128x128xf32, #tpu.memory_space<vmem>>) target(%dma_start3A_18 : memref<10000x128xf32, #tpu.memory_space<vmem_shared>>) offsets(%arg6 : memref<128xi32, #tpu.memory_space<vmem>>) semaphore(%run_scoped3A : memref<!tpu.dma_semaphore, #tpu.memory_space<semaphore_mem>>) {add = true}
          %dma_wait3A = arith.constant 0 : i32
          %dma_wait3A_19 = arith.constant 0 : i32
          %dma_wait3A_20 = tpu.memref_slice %arg8[%dma_wait3A, %dma_wait3A_19] : memref<10000x128xf32, #tpu.memory_space<vmem_shared>> -> memref<10000x128xf32, #tpu.memory_space<vmem_shared>>
          tpu.wait_indirect_dma semaphore(%run_scoped3A : memref<!tpu.dma_semaphore, #tpu.memory_space<semaphore_mem>>) src(%arg7 : memref<128x128xf32, #tpu.memory_space<vmem>>) dst(%dma_wait3A_20 : memref<10000x128xf32, #tpu.memory_space<vmem_shared>>)
          tpu.yield
        }) : () -> ()
      } else {
      }
    }
    %scan3A_7 = arith.constant 79 : i32
    %barrier3A_8 = arith.constant 0 : index
    tpu.barrier barrier_id(%barrier3A_8)
    "tpu.region"() ({
      %run_scoped3A = tpu.sem_alloc : memref<!tpu.dma_semaphore, #tpu.memory_space<semaphore_mem>>
      %dma_start3A = arith.constant 0 : i32
      %dma_start3A_9 = tpu.memref_slice %arg5[%arg0, %mul3A_2, %dma_start3A] : memref<2x10000x128xf32, #tpu.memory_space<hbm>> -> memref<1x625x128xf32, #tpu.memory_space<hbm>>
      %dma_start3A_10 = tpu.memref_squeeze %dma_start3A_9 : memref<1x625x128xf32, #tpu.memory_space<hbm>> -> memref<625x128xf32, #tpu.memory_space<hbm>>
      %dma_start3A_11 = arith.constant 0 : i32
      %dma_start3A_12 = tpu.memref_slice %arg8[%mul3A_2, %dma_start3A_11] : memref<10000x128xf32, #tpu.memory_space<vmem_shared>> -> memref<625x128xf32, #tpu.memory_space<vmem_shared>>
      tpu.enqueue_dma source(%dma_start3A_12 : memref<625x128xf32, #tpu.memory_space<vmem_shared>>) target(%dma_start3A_10 : memref<625x128xf32, #tpu.memory_space<hbm>>) target_semaphore(%run_scoped3A : memref<!tpu.dma_semaphore, #tpu.memory_space<semaphore_mem>>)
      %dma_wait3A = arith.constant 0 : i32
      %dma_wait3A_13 = tpu.memref_slice %arg5[%arg0, %mul3A_2, %dma_wait3A] : memref<2x10000x128xf32, #tpu.memory_space<hbm>> -> memref<1x625x128xf32, #tpu.memory_space<hbm>>
      %dma_wait3A_14 = tpu.memref_squeeze %dma_wait3A_13 : memref<1x625x128xf32, #tpu.memory_space<hbm>> -> memref<625x128xf32, #tpu.memory_space<hbm>>
      %dma_wait3A_15 = arith.constant 0 : i32
      %dma_wait3A_16 = tpu.memref_slice %arg8[%mul3A_2, %dma_wait3A_15] : memref<10000x128xf32, #tpu.memory_space<vmem_shared>> -> memref<625x128xf32, #tpu.memory_space<vmem_shared>>
      tpu.wait_dma2 semaphore(%run_scoped3A : memref<!tpu.dma_semaphore, #tpu.memory_space<semaphore_mem>>) src(%dma_wait3A_16 : memref<625x128xf32, #tpu.memory_space<vmem_shared>>) dst(%dma_wait3A_14 : memref<625x128xf32, #tpu.memory_space<hbm>>)
      tpu.yield
    }) : () -> ()
    return
  }
}

module attributes {stable_mosaic.version = 14 : i64} {
  func.func @body(%arg0: i32, %arg1: memref<1000x128xf32, #tpu.memory_space<vmem>>, %arg2: memref<1000x16xf32, #tpu.memory_space<vmem>>, %arg3: memref<128x64xf32, #tpu.memory_space<vmem>>, %arg4: memref<128x64xf32, #tpu.memory_space<vmem>>, %arg5: memref<1000x128xf32, #tpu.memory_space<vmem>>, %arg6: memref<1000x128xf32, #tpu.memory_space<vmem>>) attributes {dimension_semantics = [#tpu.dimension_semantics<arbitrary>], iteration_bounds = array<i64: 10>, scalar_prefetch = 0 : i64, scratch_operands = 0 : i64, tpu.core_type = #tpu.core_type<tc>, window_params = [{transform_indices = @transform_0, window_bounds = array<i64: 1000, 128>}, {transform_indices = @transform_1, window_bounds = array<i64: 1000, 16>}, {pipeline_mode = #tpu.pipeline_mode<synchronous>, transform_indices = @transform_2, window_bounds = array<i64: 128, 64>}, {pipeline_mode = #tpu.pipeline_mode<synchronous>, transform_indices = @transform_3, window_bounds = array<i64: 128, 64>}, {transform_indices = @transform_4, window_bounds = array<i64: 1000, 128>}, {transform_indices = @transform_5, window_bounds = array<i64: 1000, 128>}]} {
    %get3A = arith.constant 0 : index
    %get3A_0 = arith.constant 0 : index
    %get3A_1 = vector.load %arg1[%get3A, %get3A_0] : memref<1000x128xf32, #tpu.memory_space<vmem>>, vector<1000x128xf32>
    %get3A_2 = arith.constant 0 : index
    %get3A_3 = arith.constant 0 : index
    %get3A_4 = vector.load %arg2[%get3A_2, %get3A_3] : memref<1000x16xf32, #tpu.memory_space<vmem>>, vector<1000x16xf32>
    %broadcast_in_dim3A = arith.constant 0.000000e+00 : f32
    %broadcast_in_dim3A_5 = vector.broadcast %broadcast_in_dim3A : f32 to vector<1000x48xf32>
    %get3A_6 = arith.constant 0 : index
    %get3A_7 = arith.constant 0 : index
    %get3A_8 = vector.load %arg3[%get3A_6, %get3A_7] : memref<128x64xf32, #tpu.memory_space<vmem>>, vector<128x64xf32>
    %dot_general3A = arith.constant dense<0.000000e+00> : vector<1000x64xf32>
    %dot_general3A_9 = tpu.matmul %get3A_1, %get3A_8, %dot_general3A {dimension_numbers = #tpu.dot_dimension_numbers<[1], [0], [0], [1], [0, 0, 1, 1], [], []>, transpose_lhs_hint = false} : vector<1000x128xf32>, vector<128x64xf32>, vector<1000x64xf32> -> vector<1000x64xf32>
    %concatenate3A = tpu.concatenate %dot_general3A_9, %get3A_4, %broadcast_in_dim3A_5 in 1 : vector<1000x64xf32>, vector<1000x16xf32>, vector<1000x48xf32> -> vector<1000x128xf32>
    %swap3A = arith.constant 0 : index
    %swap3A_10 = arith.constant 0 : index
    %swap3A_11 = vector.load %arg5[%swap3A, %swap3A_10] : memref<1000x128xf32, #tpu.memory_space<vmem>>, vector<1000x128xf32>
    tpu.vector_store %arg5[%swap3A, %swap3A_10], %concatenate3A {strides = array<i32>} : memref<1000x128xf32, #tpu.memory_space<vmem>>, vector<1000x128xf32>,
    %get3A_12 = arith.constant 0 : index
    %get3A_13 = arith.constant 0 : index
    %get3A_14 = vector.load %arg4[%get3A_12, %get3A_13] : memref<128x64xf32, #tpu.memory_space<vmem>>, vector<128x64xf32>
    %dot_general3A_15 = arith.constant dense<0.000000e+00> : vector<1000x64xf32>
    %dot_general3A_16 = tpu.matmul %get3A_1, %get3A_14, %dot_general3A_15 {dimension_numbers = #tpu.dot_dimension_numbers<[1], [0], [0], [1], [0, 0, 1, 1], [], []>, transpose_lhs_hint = false} : vector<1000x128xf32>, vector<128x64xf32>, vector<1000x64xf32> -> vector<1000x64xf32>
    %concatenate3A_17 = tpu.concatenate %dot_general3A_16, %get3A_4, %broadcast_in_dim3A_5 in 1 : vector<1000x64xf32>, vector<1000x16xf32>, vector<1000x48xf32> -> vector<1000x128xf32>
    %swap3A_18 = arith.constant 0 : index
    %swap3A_19 = arith.constant 0 : index
    %swap3A_20 = vector.load %arg6[%swap3A_18, %swap3A_19] : memref<1000x128xf32, #tpu.memory_space<vmem>>, vector<1000x128xf32>
    tpu.vector_store %arg6[%swap3A_18, %swap3A_19], %concatenate3A_17 {strides = array<i32>} : memref<1000x128xf32, #tpu.memory_space<vmem>>, vector<1000x128xf32>,
    return
  }
  func.func @transform_0(%arg0: i32) -> (i32, i32) {
    %c0_i32 = arith.constant 0 : i32
    %c0_i32_0 = arith.constant 0 : i32
    return %arg0, %c0_i32 : i32, i32
  }
  func.func @transform_1(%arg0: i32) -> (i32, i32) {
    %c0_i32 = arith.constant 0 : i32
    %c0_i32_0 = arith.constant 0 : i32
    return %arg0, %c0_i32 : i32, i32
  }
  func.func @transform_2(%arg0: i32) -> (i32, i32) {
    %c0_i32 = arith.constant 0 : i32
    %c0_i32_0 = arith.constant 0 : i32
    %c0_i32_1 = arith.constant 0 : i32
    return %c0_i32, %c0_i32_0 : i32, i32
  }
  func.func @transform_3(%arg0: i32) -> (i32, i32) {
    %c0_i32 = arith.constant 0 : i32
    %c0_i32_0 = arith.constant 0 : i32
    %c0_i32_1 = arith.constant 0 : i32
    return %c0_i32, %c0_i32_0 : i32, i32
  }
  func.func @transform_4(%arg0: i32) -> (i32, i32) {
    %c0_i32 = arith.constant 0 : i32
    %c0_i32_0 = arith.constant 0 : i32
    return %arg0, %c0_i32 : i32, i32
  }
  func.func @transform_5(%arg0: i32) -> (i32, i32) {
    %c0_i32 = arith.constant 0 : i32
    %c0_i32_0 = arith.constant 0 : i32
    return %arg0, %c0_i32 : i32, i32
  }
}

module attributes {stable_mosaic.version = 14 : i64} {
  func.func @body(%arg0: i32, %arg1: memref<4096x128xf32, #tpu.memory_space<vmem>>, %arg2: memref<4096x128xf32, #tpu.memory_space<vmem>>, %arg3: memref<4096x4xf32, #tpu.memory_space<vmem>>, %arg4: memref<1x64xf32, #tpu.memory_space<vmem>>, %arg5: memref<4x64xf32, #tpu.memory_space<vmem>>, %arg6: memref<1x64xf32, #tpu.memory_space<vmem>>, %arg7: memref<64x64xf32, #tpu.memory_space<vmem>>, %arg8: memref<1x64xf32, #tpu.memory_space<vmem>>, %arg9: memref<4096x128xf32, #tpu.memory_space<vmem>>) attributes {dimension_semantics = [#tpu.dimension_semantics<arbitrary>], iteration_bounds = array<i64: 79>, scalar_prefetch = 0 : i64, scratch_operands = 0 : i64, tpu.core_type = #tpu.core_type<tc>, window_params = [{transform_indices = @transform_0, window_bounds = array<i64: 4096, 128>}, {transform_indices = @transform_1, window_bounds = array<i64: 4096, 128>}, {transform_indices = @transform_2, window_bounds = array<i64: 4096, 4>}, {pipeline_mode = #tpu.pipeline_mode<synchronous>, transform_indices = @transform_3, window_bounds = array<i64: 1, 64>}, {pipeline_mode = #tpu.pipeline_mode<synchronous>, transform_indices = @transform_4, window_bounds = array<i64: 4, 64>}, {pipeline_mode = #tpu.pipeline_mode<synchronous>, transform_indices = @transform_5, window_bounds = array<i64: 1, 64>}, {pipeline_mode = #tpu.pipeline_mode<synchronous>, transform_indices = @transform_6, window_bounds = array<i64: 64, 64>}, {pipeline_mode = #tpu.pipeline_mode<synchronous>, transform_indices = @transform_7, window_bounds = array<i64: 1, 64>}, {transform_indices = @transform_8, window_bounds = array<i64: 4096, 128>}]} {
    %get3A = arith.constant 0 : index
    %get3A_0 = arith.constant 0 : index
    %get3A_1 = vector.load %arg1[%get3A, %get3A_0] : memref<4096x128xf32, #tpu.memory_space<vmem>>, vector<4096x128xf32>
    %get3A_2 = arith.constant 0 : index
    %get3A_3 = arith.constant 0 : index
    %get3A_4 = vector.load %arg2[%get3A_2, %get3A_3] : memref<4096x128xf32, #tpu.memory_space<vmem>>, vector<4096x128xf32>
    %slice3A = vector.extract_strided_slice %get3A_1 {offsets = [0, 0], sizes = [4096, 64], strides = [1, 1]} : vector<4096x128xf32> to vector<4096x64xf32>
    %slice3A_5 = vector.extract_strided_slice %get3A_4 {offsets = [0, 0], sizes = [4096, 64], strides = [1, 1]} : vector<4096x128xf32> to vector<4096x64xf32>
    %slice3A_6 = vector.extract_strided_slice %get3A_1 {offsets = [0, 64], sizes = [4096, 16], strides = [1, 1]} : vector<4096x128xf32> to vector<4096x16xf32>
    %slice3A_7 = vector.extract_strided_slice %get3A_4 {offsets = [0, 64], sizes = [4096, 16], strides = [1, 1]} : vector<4096x128xf32> to vector<4096x16xf32>
    %sub3A = arith.subf %slice3A_6, %slice3A_7 : vector<4096x16xf32>
    %mul3A = arith.mulf %sub3A, %sub3A : vector<4096x16xf32>
    %reduce_sum3A = arith.constant dense<0.000000e+00> : vector<4096xf32>
    %reduce_sum3A_8 = vector.multi_reduction <add>, %mul3A, %reduce_sum3A [1] : vector<4096x16xf32> to vector<4096xf32>
    %broadcast_in_dim3A = vector.shape_cast %reduce_sum3A_8 : vector<4096xf32> to vector<4096x1xf32>
    %slice3A_9 = vector.extract_strided_slice %slice3A_6 {offsets = [0, 2], sizes = [4096, 1], strides = [1, 1]} : vector<4096x16xf32> to vector<4096x1xf32>
    %slice3A_10 = vector.extract_strided_slice %slice3A_7 {offsets = [0, 2], sizes = [4096, 1], strides = [1, 1]} : vector<4096x16xf32> to vector<4096x1xf32>
    %mul3A_11 = arith.constant 2.000000e+00 : f32
    %mul3A_12 = vector.broadcast %mul3A_11 : f32 to vector<4096x1xf32>
    %mul3A_13 = arith.mulf %mul3A_12, %slice3A_9 : vector<4096x1xf32>
    %mul3A_14 = arith.mulf %mul3A_13, %slice3A_10 : vector<4096x1xf32>
    %add3A = arith.constant 9.99999997E-7 : f32
    %add3A_15 = vector.broadcast %add3A : f32 to vector<4096x1xf32>
    %add3A_16 = arith.addf %mul3A_14, %add3A_15 : vector<4096x1xf32>
    %div3A = arith.divf %broadcast_in_dim3A, %add3A_16 : vector<4096x1xf32>
    %add3A_17 = arith.constant 1.000000e+00 : f32
    %add3A_18 = vector.broadcast %add3A_17 : f32 to vector<4096x1xf32>
    %add3A_19 = arith.addf %add3A_18, %div3A : vector<4096x1xf32>
    %add3A_20 = arith.constant 9.99999997E-7 : f32
    %add3A_21 = vector.broadcast %add3A_20 : f32 to vector<4096x1xf32>
    %add3A_22 = arith.addf %add3A_19, %add3A_21 : vector<4096x1xf32>
    %sub3A_23 = arith.constant 1.000000e+00 : f32
    %sub3A_24 = vector.broadcast %sub3A_23 : f32 to vector<4096x1xf32>
    %sub3A_25 = arith.subf %add3A_22, %sub3A_24 : vector<4096x1xf32>
    %add3A_26 = arith.constant 1.000000e+00 : f32
    %add3A_27 = vector.broadcast %add3A_26 : f32 to vector<4096x1xf32>
    %add3A_28 = arith.addf %add3A_22, %add3A_27 : vector<4096x1xf32>
    %mul3A_29 = arith.mulf %sub3A_25, %add3A_28 : vector<4096x1xf32>
    %sqrt3A = math.sqrt %mul3A_29 : vector<4096x1xf32>
    %add3A_30 = arith.addf %add3A_22, %sqrt3A : vector<4096x1xf32>
    %log3A = math.log %add3A_30 : vector<4096x1xf32>
    %add3A_31 = arith.addf %slice3A, %slice3A_5 : vector<4096x64xf32>
    %get3A_32 = arith.constant 0 : index
    %get3A_33 = arith.constant 0 : index
    %get3A_34 = vector.load %arg4[%get3A_32, %get3A_33] : memref<1x64xf32, #tpu.memory_space<vmem>>, vector<1x64xf32>
    %mul3A_35 = vector.broadcast %log3A : vector<4096x1xf32> to vector<4096x64xf32>
    %mul3A_36 = vector.broadcast %get3A_34 : vector<1x64xf32> to vector<4096x64xf32>
    %mul3A_37 = arith.mulf %mul3A_35, %mul3A_36 : vector<4096x64xf32>
    %add3A_38 = arith.addf %add3A_31, %mul3A_37 : vector<4096x64xf32>
    %get3A_39 = arith.constant 0 : index
    %get3A_40 = arith.constant 0 : index
    %get3A_41 = vector.load %arg3[%get3A_39, %get3A_40] : memref<4096x4xf32, #tpu.memory_space<vmem>>, vector<4096x4xf32>
    %get3A_42 = arith.constant 0 : index
    %get3A_43 = arith.constant 0 : index
    %get3A_44 = vector.load %arg5[%get3A_42, %get3A_43] : memref<4x64xf32, #tpu.memory_space<vmem>>, vector<4x64xf32>
    %dot_general3A = arith.constant dense<0.000000e+00> : vector<4096x64xf32>
    %dot_general3A_45 = tpu.matmul %get3A_41, %get3A_44, %dot_general3A {dimension_numbers = #tpu.dot_dimension_numbers<[1], [0], [0], [1], [0, 0, 1, 1], [], []>, transpose_lhs_hint = false} : vector<4096x4xf32>, vector<4x64xf32>, vector<4096x64xf32> -> vector<4096x64xf32>
    %add3A_46 = arith.addf %add3A_38, %dot_general3A_45 : vector<4096x64xf32>
    %get3A_47 = arith.constant 0 : index
    %get3A_48 = arith.constant 0 : index
    %get3A_49 = vector.load %arg6[%get3A_47, %get3A_48] : memref<1x64xf32, #tpu.memory_space<vmem>>, vector<1x64xf32>
    %add3A_50 = vector.broadcast %get3A_49 : vector<1x64xf32> to vector<4096x64xf32>
    %add3A_51 = arith.addf %add3A_46, %add3A_50 : vector<4096x64xf32>
    %logistic3A = arith.negf %add3A_51 : vector<4096x64xf32>
    %logistic3A_52 = math.exp %logistic3A : vector<4096x64xf32>
    %logistic3A_53 = arith.constant 1.000000e+00 : f32
    %logistic3A_54 = vector.broadcast %logistic3A_53 : f32 to vector<4096x64xf32>
    %logistic3A_55 = arith.addf %logistic3A_54, %logistic3A_52 : vector<4096x64xf32>
    %logistic3A_56 = arith.divf %logistic3A_54, %logistic3A_55 : vector<4096x64xf32>
    %mul3A_57 = arith.mulf %add3A_51, %logistic3A_56 : vector<4096x64xf32>
    %get3A_58 = arith.constant 0 : index
    %get3A_59 = arith.constant 0 : index
    %get3A_60 = vector.load %arg7[%get3A_58, %get3A_59] : memref<64x64xf32, #tpu.memory_space<vmem>>, vector<64x64xf32>
    %dot_general3A_61 = arith.constant dense<0.000000e+00> : vector<4096x64xf32>
    %dot_general3A_62 = tpu.matmul %mul3A_57, %get3A_60, %dot_general3A_61 {dimension_numbers = #tpu.dot_dimension_numbers<[1], [0], [0], [1], [0, 0, 1, 1], [], []>, transpose_lhs_hint = false} : vector<4096x64xf32>, vector<64x64xf32>, vector<4096x64xf32> -> vector<4096x64xf32>
    %get3A_63 = arith.constant 0 : index
    %get3A_64 = arith.constant 0 : index
    %get3A_65 = vector.load %arg8[%get3A_63, %get3A_64] : memref<1x64xf32, #tpu.memory_space<vmem>>, vector<1x64xf32>
    %add3A_66 = vector.broadcast %get3A_65 : vector<1x64xf32> to vector<4096x64xf32>
    %add3A_67 = arith.addf %dot_general3A_62, %add3A_66 : vector<4096x64xf32>
    %logistic3A_68 = arith.negf %add3A_67 : vector<4096x64xf32>
    %logistic3A_69 = math.exp %logistic3A_68 : vector<4096x64xf32>
    %logistic3A_70 = arith.constant 1.000000e+00 : f32
    %logistic3A_71 = vector.broadcast %logistic3A_70 : f32 to vector<4096x64xf32>
    %logistic3A_72 = arith.addf %logistic3A_71, %logistic3A_69 : vector<4096x64xf32>
    %logistic3A_73 = arith.divf %logistic3A_71, %logistic3A_72 : vector<4096x64xf32>
    %mul3A_74 = arith.mulf %add3A_67, %logistic3A_73 : vector<4096x64xf32>
    %iota3A = tpu.iota {dimensions = array<i32: 1>} : vector<4096x64xi32>
    %eq3A = arith.constant 0 : i32
    %eq3A_75 = vector.broadcast %eq3A : i32 to vector<4096x64xi32>
    %eq3A_76 = arith.cmpi eq, %iota3A, %eq3A_75 : vector<4096x64xi32>
    %convert_element_type3A = arith.extui %eq3A_76 : vector<4096x64xi1> to vector<4096x64xi32>
    %convert_element_type3A_77 = arith.sitofp %convert_element_type3A : vector<4096x64xi32> to vector<4096x64xf32>
    %concatenate3A = tpu.concatenate %mul3A_74, %convert_element_type3A_77 in 1 : vector<4096x64xf32>, vector<4096x64xf32> -> vector<4096x128xf32>
    %swap3A = arith.constant 0 : index
    %swap3A_78 = arith.constant 0 : index
    %swap3A_79 = vector.load %arg9[%swap3A, %swap3A_78] : memref<4096x128xf32, #tpu.memory_space<vmem>>, vector<4096x128xf32>
    tpu.vector_store %arg9[%swap3A, %swap3A_78], %concatenate3A {strides = array<i32>} : memref<4096x128xf32, #tpu.memory_space<vmem>>, vector<4096x128xf32>,
    return
  }
  func.func @transform_0(%arg0: i32) -> (i32, i32) {
    %c0_i32 = arith.constant 0 : i32
    %c0_i32_0 = arith.constant 0 : i32
    return %arg0, %c0_i32 : i32, i32
  }
  func.func @transform_1(%arg0: i32) -> (i32, i32) {
    %c0_i32 = arith.constant 0 : i32
    %c0_i32_0 = arith.constant 0 : i32
    return %arg0, %c0_i32 : i32, i32
  }
  func.func @transform_2(%arg0: i32) -> (i32, i32) {
    %c0_i32 = arith.constant 0 : i32
    %c0_i32_0 = arith.constant 0 : i32
    return %arg0, %c0_i32 : i32, i32
  }
  func.func @transform_3(%arg0: i32) -> (i32, i32) {
    %c0_i32 = arith.constant 0 : i32
    %c0_i32_0 = arith.constant 0 : i32
    %c0_i32_1 = arith.constant 0 : i32
    return %c0_i32, %c0_i32_0 : i32, i32
  }
  func.func @transform_4(%arg0: i32) -> (i32, i32) {
    %c0_i32 = arith.constant 0 : i32
    %c0_i32_0 = arith.constant 0 : i32
    %c0_i32_1 = arith.constant 0 : i32
    return %c0_i32, %c0_i32_0 : i32, i32
  }
  func.func @transform_5(%arg0: i32) -> (i32, i32) {
    %c0_i32 = arith.constant 0 : i32
    %c0_i32_0 = arith.constant 0 : i32
    %c0_i32_1 = arith.constant 0 : i32
    return %c0_i32, %c0_i32_0 : i32, i32
  }
  func.func @transform_6(%arg0: i32) -> (i32, i32) {
    %c0_i32 = arith.constant 0 : i32
    %c0_i32_0 = arith.constant 0 : i32
    %c0_i32_1 = arith.constant 0 : i32
    return %c0_i32, %c0_i32_0 : i32, i32
  }
  func.func @transform_7(%arg0: i32) -> (i32, i32) {
    %c0_i32 = arith.constant 0 : i32
    %c0_i32_0 = arith.constant 0 : i32
    %c0_i32_1 = arith.constant 0 : i32
    return %c0_i32, %c0_i32_0 : i32, i32
  }
  func.func @transform_8(%arg0: i32) -> (i32, i32) {
    %c0_i32 = arith.constant 0 : i32
    %c0_i32_0 = arith.constant 0 : i32
    return %arg0, %c0_i32 : i32, i32
  }
}

module attributes {stable_mosaic.version = 14 : i64} {
  func.func @body(%arg0: i32, %arg1: memref<1000x128xf32, #tpu.memory_space<vmem>>, %arg2: memref<1000x128xf32, #tpu.memory_space<vmem>>, %arg3: memref<1000x128xf32, #tpu.memory_space<vmem>>, %arg4: memref<128x64xf32, #tpu.memory_space<vmem>>, %arg5: memref<64x64xf32, #tpu.memory_space<vmem>>, %arg6: memref<1x64xf32, #tpu.memory_space<vmem>>, %arg7: memref<64x128xf32, #tpu.memory_space<vmem>>, %arg8: memref<1x128xf32, #tpu.memory_space<vmem>>, %arg9: memref<1000x128xf32, #tpu.memory_space<vmem>>) attributes {dimension_semantics = [#tpu.dimension_semantics<arbitrary>], iteration_bounds = array<i64: 10>, scalar_prefetch = 0 : i64, scratch_operands = 0 : i64, tpu.core_type = #tpu.core_type<tc>, window_params = [{transform_indices = @transform_0, window_bounds = array<i64: 1000, 128>}, {transform_indices = @transform_1, window_bounds = array<i64: 1000, 128>}, {transform_indices = @transform_2, window_bounds = array<i64: 1000, 128>}, {pipeline_mode = #tpu.pipeline_mode<synchronous>, transform_indices = @transform_3, window_bounds = array<i64: 128, 64>}, {pipeline_mode = #tpu.pipeline_mode<synchronous>, transform_indices = @transform_4, window_bounds = array<i64: 64, 64>}, {pipeline_mode = #tpu.pipeline_mode<synchronous>, transform_indices = @transform_5, window_bounds = array<i64: 1, 64>}, {pipeline_mode = #tpu.pipeline_mode<synchronous>, transform_indices = @transform_6, window_bounds = array<i64: 64, 128>}, {pipeline_mode = #tpu.pipeline_mode<synchronous>, transform_indices = @transform_7, window_bounds = array<i64: 1, 128>}, {transform_indices = @transform_8, window_bounds = array<i64: 1000, 128>}]} {
    %get3A = arith.constant 0 : index
    %get3A_0 = arith.constant 0 : index
    %get3A_1 = vector.load %arg1[%get3A, %get3A_0] : memref<1000x128xf32, #tpu.memory_space<vmem>>, vector<1000x128xf32>
    %get3A_2 = arith.constant 0 : index
    %get3A_3 = arith.constant 0 : index
    %get3A_4 = vector.load %arg2[%get3A_2, %get3A_3] : memref<1000x128xf32, #tpu.memory_space<vmem>>, vector<1000x128xf32>
    %get3A_5 = arith.constant 0 : index
    %get3A_6 = arith.constant 0 : index
    %get3A_7 = vector.load %arg3[%get3A_5, %get3A_6] : memref<1000x128xf32, #tpu.memory_space<vmem>>, vector<1000x128xf32>
    %add3A = arith.addf %get3A_4, %get3A_7 : vector<1000x128xf32>
    %slice3A = vector.extract_strided_slice %add3A {offsets = [0, 64], sizes = [1000, 1], strides = [1, 1]} : vector<1000x128xf32> to vector<1000x1xf32>
    %max3A = arith.constant 1.000000e+00 : f32
    %max3A_8 = vector.broadcast %max3A : f32 to vector<1000x1xf32>
    %max3A_9 = arith.maximumf %slice3A, %max3A_8 : vector<1000x1xf32>
    %slice3A_10 = vector.extract_strided_slice %add3A {offsets = [0, 0], sizes = [1000, 64], strides = [1, 1]} : vector<1000x128xf32> to vector<1000x64xf32>
    %div3A = vector.broadcast %max3A_9 : vector<1000x1xf32> to vector<1000x64xf32>
    %div3A_11 = arith.divf %slice3A_10, %div3A : vector<1000x64xf32>
    %get3A_12 = arith.constant 0 : index
    %get3A_13 = arith.constant 0 : index
    %get3A_14 = vector.load %arg4[%get3A_12, %get3A_13] : memref<128x64xf32, #tpu.memory_space<vmem>>, vector<128x64xf32>
    %dot_general3A = arith.constant dense<0.000000e+00> : vector<1000x64xf32>
    %dot_general3A_15 = tpu.matmul %get3A_1, %get3A_14, %dot_general3A {dimension_numbers = #tpu.dot_dimension_numbers<[1], [0], [0], [1], [0, 0, 1, 1], [], []>, transpose_lhs_hint = false} : vector<1000x128xf32>, vector<128x64xf32>, vector<1000x64xf32> -> vector<1000x64xf32>
    %get3A_16 = arith.constant 0 : index
    %get3A_17 = arith.constant 0 : index
    %get3A_18 = vector.load %arg5[%get3A_16, %get3A_17] : memref<64x64xf32, #tpu.memory_space<vmem>>, vector<64x64xf32>
    %dot_general3A_19 = arith.constant dense<0.000000e+00> : vector<1000x64xf32>
    %dot_general3A_20 = tpu.matmul %div3A_11, %get3A_18, %dot_general3A_19 {dimension_numbers = #tpu.dot_dimension_numbers<[1], [0], [0], [1], [0, 0, 1, 1], [], []>, transpose_lhs_hint = false} : vector<1000x64xf32>, vector<64x64xf32>, vector<1000x64xf32> -> vector<1000x64xf32>
    %add3A_21 = arith.addf %dot_general3A_15, %dot_general3A_20 : vector<1000x64xf32>
    %get3A_22 = arith.constant 0 : index
    %get3A_23 = arith.constant 0 : index
    %get3A_24 = vector.load %arg6[%get3A_22, %get3A_23] : memref<1x64xf32, #tpu.memory_space<vmem>>, vector<1x64xf32>
    %add3A_25 = vector.broadcast %get3A_24 : vector<1x64xf32> to vector<1000x64xf32>
    %add3A_26 = arith.addf %add3A_21, %add3A_25 : vector<1000x64xf32>
    %logistic3A = arith.negf %add3A_26 : vector<1000x64xf32>
    %logistic3A_27 = math.exp %logistic3A : vector<1000x64xf32>
    %logistic3A_28 = arith.constant 1.000000e+00 : f32
    %logistic3A_29 = vector.broadcast %logistic3A_28 : f32 to vector<1000x64xf32>
    %logistic3A_30 = arith.addf %logistic3A_29, %logistic3A_27 : vector<1000x64xf32>
    %logistic3A_31 = arith.divf %logistic3A_29, %logistic3A_30 : vector<1000x64xf32>
    %mul3A = arith.mulf %add3A_26, %logistic3A_31 : vector<1000x64xf32>
    %get3A_32 = arith.constant 0 : index
    %get3A_33 = arith.constant 0 : index
    %get3A_34 = vector.load %arg7[%get3A_32, %get3A_33] : memref<64x128xf32, #tpu.memory_space<vmem>>, vector<64x128xf32>
    %dot_general3A_35 = arith.constant dense<0.000000e+00> : vector<1000x128xf32>
    %dot_general3A_36 = tpu.matmul %mul3A, %get3A_34, %dot_general3A_35 {dimension_numbers = #tpu.dot_dimension_numbers<[1], [0], [0], [1], [0, 0, 1, 1], [], []>, transpose_lhs_hint = false} : vector<1000x64xf32>, vector<64x128xf32>, vector<1000x128xf32> -> vector<1000x128xf32>
    %add3A_37 = arith.addf %get3A_1, %dot_general3A_36 : vector<1000x128xf32>
    %get3A_38 = arith.constant 0 : index
    %get3A_39 = arith.constant 0 : index
    %get3A_40 = vector.load %arg8[%get3A_38, %get3A_39] : memref<1x128xf32, #tpu.memory_space<vmem>>, vector<1x128xf32>
    %add3A_41 = vector.broadcast %get3A_40 : vector<1x128xf32> to vector<1000x128xf32>
    %add3A_42 = arith.addf %add3A_37, %add3A_41 : vector<1000x128xf32>
    %swap3A = arith.constant 0 : index
    %swap3A_43 = arith.constant 0 : index
    %swap3A_44 = vector.load %arg9[%swap3A, %swap3A_43] : memref<1000x128xf32, #tpu.memory_space<vmem>>, vector<1000x128xf32>
    tpu.vector_store %arg9[%swap3A, %swap3A_43], %add3A_42 {strides = array<i32>} : memref<1000x128xf32, #tpu.memory_space<vmem>>, vector<1000x128xf32>,
    return
  }
  func.func @transform_0(%arg0: i32) -> (i32, i32) {
    %c0_i32 = arith.constant 0 : i32
    %c0_i32_0 = arith.constant 0 : i32
    return %arg0, %c0_i32 : i32, i32
  }
  func.func @transform_1(%arg0: i32) -> (i32, i32) {
    %c0_i32 = arith.constant 0 : i32
    %c0_i32_0 = arith.constant 0 : i32
    return %arg0, %c0_i32 : i32, i32
  }
  func.func @transform_2(%arg0: i32) -> (i32, i32) {
    %c0_i32 = arith.constant 0 : i32
    %c0_i32_0 = arith.constant 0 : i32
    return %arg0, %c0_i32 : i32, i32
  }
  func.func @transform_3(%arg0: i32) -> (i32, i32) {
    %c0_i32 = arith.constant 0 : i32
    %c0_i32_0 = arith.constant 0 : i32
    %c0_i32_1 = arith.constant 0 : i32
    return %c0_i32, %c0_i32_0 : i32, i32
  }
  func.func @transform_4(%arg0: i32) -> (i32, i32) {
    %c0_i32 = arith.constant 0 : i32
    %c0_i32_0 = arith.constant 0 : i32
    %c0_i32_1 = arith.constant 0 : i32
    return %c0_i32, %c0_i32_0 : i32, i32
  }
  func.func @transform_5(%arg0: i32) -> (i32, i32) {
    %c0_i32 = arith.constant 0 : i32
    %c0_i32_0 = arith.constant 0 : i32
    %c0_i32_1 = arith.constant 0 : i32
    return %c0_i32, %c0_i32_0 : i32, i32
  }
  func.func @transform_6(%arg0: i32) -> (i32, i32) {
    %c0_i32 = arith.constant 0 : i32
    %c0_i32_0 = arith.constant 0 : i32
    %c0_i32_1 = arith.constant 0 : i32
    return %c0_i32, %c0_i32_0 : i32, i32
  }
  func.func @transform_7(%arg0: i32) -> (i32, i32) {
    %c0_i32 = arith.constant 0 : i32
    %c0_i32_0 = arith.constant 0 : i32
    %c0_i32_1 = arith.constant 0 : i32
    return %c0_i32, %c0_i32_0 : i32, i32
  }
  func.func @transform_8(%arg0: i32) -> (i32, i32) {
    %c0_i32 = arith.constant 0 : i32
    %c0_i32_0 = arith.constant 0 : i32
    return %arg0, %c0_i32 : i32, i32
  }
}

</mosaic_0001>

<sc_bundles>
// kernel: kernel.10.cloned.1.call-start
scs
__scs_entry_jumppad:
0x0: {  	(pc) =	sbr.rel $0x88, $3  }
0x1: {  	(tag) =	ssettag $0x0;
	lr =	simm.s32 $0x1  }
0x2: {  	[smem:$0x3F95] =	sst lr;
	_ =	strace $0xD0000000  }
0x3: {  	_ = 	snop  }
0x4: {  	_ = 	snop  }
0x5: {  	_ = 	snop  }
0x6: {  	_ = 	snop  }
0x7: {  	_ = 	snop  }
__scs_overlays_trampoline_lowered:
0x8: {  	[smem:$0x3FA4] =	sst s0  }
0x9: {  	[smem:$0x3FA5] =	sst s1  }
0xa: {  	[smem:$0x3FA6] =	sst s2  }
0xb: {  	[smem:$0x3FA7] =	sst s3  }
0xc: {  	[smem:$0x3FA8] =	sst s4  }
0xd: {  	[smem:$0x3FA9] =	sst s5  }
0xe: {  	[smem:$0x3FAA] =	sst s6  }
0xf: {  	[smem:$0x3FAB] =	sst s7  }
0x10: {  	[smem:$0x3FAC] =	sst s8  }
0x11: {  	[smem:$0x3FAD] =	sst s9;
	s0 =	simm.s32 @!p0 $0x0  }
0x12: {  	s1 =	sld [smem:$0x3F93];
	s0 =	simm.s32 @p0 $0x1  }
0x13: {  	[smem:$0x3FAE] =	sst s0;
	s0 =	simm.s32 @!p1 $0x0  }
0x14: {  	s2 =	sld [smem:$0x3F92];
	s0 =	simm.s32 @p1 $0x1  }
0x15: {  	[smem:$0x3FAF] =	sst s0;
	s0 =	simm.s32 @!p2 $0x0  }
0x16: {  	s3 =	sld [smem:$0x3FDB];
	s0 =	simm.s32 @p2 $0x1  }
0x17: {  	s4 =	simm.s32 $0x1BF5;
	[smem:$0x3FB1] =	sst s0  }
0x18: {  	s0 =	sld [smem:$0x3F94];
	_ =	swait.ge [sflag:s4], $0x0  }
0x19: {  	s7 =	sld [smem:$0x3F95]  }
0x1a: {  	s8 =	sadd.s32 $0xFFFFE003, lr  }
0x1b: {  	s9 =	sadd.s32 $0xFFFFFEF7, lr;
	s5 =	simm.s32 $0xFFFFFFFF;
	p2 =	slt.u32 s8, $0xFFFFF086  }
0x1c: {  	p1 =	slt.u32 s9, $0xF7A;
	s5 =	simm.s32 @!p2 $0x0  }
0x1d: {  	s5 =	simm.s32 @p1 $0x1;
	p0 =	seq.s32 s7, s2  }
0x1e: {  	s7 =	smul.u32 @!p0 $0xF7A, s2;
	p2 =	seq.s32 @!p0 s5, $0x0  }
0x1f: {  	s9 =	smul.u32 $0xF7A, s1;
	s8 =	simm.s32 @!p0 $0x1BF5;
	p2 =	por !p2, p0  }
0x20: {  	[sflag:s8] =	ssyncset.s32 @!p0 $0xFFFFF086;
	s6 =	sadd.s32 @!p0 s3, s7;
	s7 =	simm.s32 @!p0 $0x108  }
0x21: {  	s3 =	sadd.s32 s3, s9;
	s6 =	sadd.s32 @!p0 $0x88, s6;
	s7 =	simm.s32 @p2 $0x1082  }
0x22: {  	[simem:s7], [sflag:s8] =	dma.local @!p0 [hbm:s6], $0xF7A  }
0x23: {  	s9 =	sor.u32 $0xD0000000, s2;
	s6 =	simm.s32 $0x108;
	_ =	swait.ge @!p0 [sflag:s8], $0x0  }
0x24: {  	s3 =	sadd.s32 $0x88, s3;
	s6 =	simm.s32 @!p1 $0x1082;
	[sflag:s4] =	ssyncset.s32 $0xFFFFF086  }
0x25: {  	[simem:s6], [sflag:s4] =	dma.local [hbm:s3], $0xF7A  }
0x26: {  	[smem:$0x3F95] =	sst s1;
	(tag) =	ssettag s2;
	_ =	strace s9  }
0x27: {  	s1 =	sld [smem:$0x3FA5]  }
0x28: {  	s2 =	sld [smem:$0x3FA6]  }
0x29: {  	s4 =	sld [smem:$0x3FA8]  }
0x2a: {  	p0 =	seq.s32 s5, $0x0;
	s5 =	sld [smem:$0x3FA9]  }
0x2b: {  	s6 =	sld [smem:$0x3FAA]  }
0x2c: {  	s7 =	sld [smem:$0x3FAB]  }
0x2d: {  	s3 =	simm.s32 $0x108;
	s8 =	sld [smem:$0x3FAC]  }
0x2e: {  	s3 =	simm.s32 @!p0 $0x1082;
	s9 =	sld [smem:$0x3FAD]  }
0x2f: {  	lr =	sadd.s32 s0, s3;
	s0 =	sld [smem:$0x3FA4]  }
0x30: {  	s3 =	sld [smem:$0x3FA7]  }
0x31: {  	[smem:$0x3FB0] =	sst s10  }
0x32: {  	s10 =	sld [smem:$0x3FAE];
	_ =	sdelay $0x3  }
0x33: {  	p0 =	seq.s32 s10, $0x1;
	s10 =	sld [smem:$0x3FB0];
	_ =	sdelay $0x3  }
0x34: {  	[smem:$0x3FB0] =	sst s10  }
0x35: {  	s10 =	sld [smem:$0x3FAF];
	_ =	sdelay $0x3  }
0x36: {  	p1 =	seq.s32 s10, $0x1;
	s10 =	sld [smem:$0x3FB0];
	_ =	sdelay $0x3  }
0x37: {  	[smem:$0x3FB0] =	sst s10  }
0x38: {  	s10 =	sld [smem:$0x3FB1]  }
0x39: {  	_ = 	snop;
	(pc) =	sbr.ind lr, $3  }
0x3a: {  	_ = 	snop  }
0x3b: {  	_ = 	snop  }
0x3c: {  	p2 =	seq.s32 s10, $0x1;
	s10 =	sld [smem:$0x3FB0]  }
0x3d: {  	_ =	shalt  }
0x3e: {  	_ =	shalt  }
0x3f: {  	_ =	shalt  }
0x40: {  	_ =	shalt  }
0x41: {  	_ =	shalt  }
0x42: {  	_ =	shalt  }
0x43: {  	_ =	shalt  }
0x44: {  	_ =	shalt  }
0x45: {  	_ =	shalt  }
0x46: {  	_ =	shalt  }
0x47: {  	_ =	shalt  }
0x48: {  	_ =	shalt  }
0x49: {  	_ =	shalt  }
0x4a: {  	_ =	shalt  }
0x4b: {  	_ =	shalt  }
0x4c: {  	_ =	shalt  }
0x4d: {  	_ =	shalt  }
0x4e: {  	_ =	shalt  }
0x4f: {  	_ =	shalt  }
0x50: {  	_ =	shalt  }
0x51: {  	_ =	shalt  }
0x52: {  	_ =	shalt  }
0x53: {  	_ =	shalt  }
0x54: {  	_ =	shalt  }
0x55: {  	_ =	shalt  }
0x56: {  	_ =	shalt  }
0x57: {  	_ =	shalt  }
0x58: {  	_ =	shalt  }
0x59: {  	_ =	shalt  }
0x5a: {  	_ =	shalt  }
0x5b: {  	_ =	shalt  }
0x5c: {  	_ =	shalt  }
0x5d: {  	_ =	shalt  }
0x5e: {  	_ =	shalt  }
0x5f: {  	_ =	shalt  }
0x60: {  	_ =	shalt  }
0x61: {  	_ =	shalt  }
0x62: {  	_ =	shalt  }
0x63: {  	_ =	shalt  }
0x64: {  	_ =	shalt  }
0x65: {  	_ =	shalt  }
0x66: {  	_ =	shalt  }
0x67: {  	_ =	shalt  }
0x68: {  	_ =	shalt  }
0x69: {  	_ =	shalt  }
0x6a: {  	_ =	shalt  }
0x6b: {  	_ =	shalt  }
0x6c: {  	_ =	shalt  }
0x6d: {  	_ =	shalt  }
0x6e: {  	_ =	shalt  }
0x6f: {  	_ =	shalt  }
0x70: {  	_ =	shalt  }
0x71: {  	_ =	shalt  }
0x72: {  	_ =	shalt  }
0x73: {  	_ =	shalt  }
0x74: {  	_ =	shalt  }
0x75: {  	_ =	shalt  }
0x76: {  	_ =	shalt  }
0x77: {  	_ =	shalt  }
0x78: {  	_ =	shalt  }
0x79: {  	_ =	shalt  }
0x7a: {  	_ =	shalt  }
0x7b: {  	_ =	shalt  }
0x7c: {  	_ =	shalt  }
0x7d: {  	_ =	shalt  }
0x7e: {  	_ =	shalt  }
0x7f: {  	_ =	shalt  }
0x80: {  	_ =	shalt  }
0x81: {  	_ =	shalt  }
0x82: {  	_ =	shalt  }
0x83: {  	_ =	shalt  }
0x84: {  	_ =	shalt  }
0x85: {  	_ =	shalt  }
0x86: {  	_ =	shalt  }
0x87: {  	_ =	shalt  }
.Lfunc_end0:
.L_simem_size_0:
called_computation.1_lowered:
.L_overlay_start_0:
0x88: {  	s2 =	sld [smem:$0x3FD9]  }
0x89: {  	s3 =	sld [smem:$0x3FFE];
	_ =	sdelay $0x1  }
0x8a: {  	s1 =	srdreg.scid  }
0x8b: {  	s0 =	sand.u32 $0x1, s1  }
0x8c: {  	s17 =	sshll.u32 s0, $0xA;
	s2 =	sadd.s32 s3, s2  }
0x8d: {  	s2 =	sadd.s32 s2, s17  }
0x8e: {  	[smem:$0x3FBC] =	sst s2  }
0x8f: {  	_ = 	snop  }
0x90: {  	s2 =	sld [smem:$0x3FD0];
	(tm) =	ssettm $0x1  }
0x91: {  	s18 =	sld [smem:$0x3FFB];
	_ =	sdelay $0x3  }
0x92: {  	_ =	strace s18  }
0x93: {  	s3 =	sld [smem:$0x3FFC];
	_ =	sdelay $0x3  }
0x94: {  	_ =	strace s3  }
0x95: {  	s3 =	sld [smem:$0x3FFD];
	_ =	sdelay $0x3  }
0x96: {  	_ =	strace s3  }
0x97: {  	_ =	strace $0x8FFFFFFF  }
0x98: {  	s19 =	sld [smem:$0x3FDB];
	_ =	sdelay $0x1  }
0x99: {  	s4 =	simm.s32 $_scs_section_size  }
0x9a: {  	s5 =	simm.s32 $_size__tile_overlayer_lowered;
	s6 =	simm.s32 $_tile_overlayer_lowered  }
0x9b: {  	s22 =	simm.s32 $0x1BFF;
	s21 =	sshll.u32 s6, $0x1;
	s3 =	sadd.s32 s4, s19  }
0x9c: {  	s7 =	simm.s32 $0x0;
	s20 =	sshll.u32 s5, $0x1;
	s5 =	sadd.s32 s21, s3  }
0x9d: {  	[timem:s7], [sflag:s22] =	dma.local [hbm:s5], s20  }
0x9e: {  	_ =	swait.ge [sflag:s22], s20  }
0x9f: {  	s4 =	ssub.s32 $0x0, s20;
	[sflag:s22] =	ssyncset.done $0x0  }
0xa0: {  	[sflag:s22] =	ssyncadd.s32 s4;
	_ =	sdelay $0x1  }
0xa1: {  	s23 =	simm.s32 $0x1B8B  }
0xa2: {  	_ =	swait.ge [sflag:s23], $0x1  }
0xa3: {  	[sflag:s23] =	ssyncset.done $0x0  }
0xa4: {  	s25 =	simm.s32 $0x1B8E;
	s24 =	sld [smem:$0x3FFE];
	[sflag:s23] =	ssyncadd.s32 $0xFFFFFFFF  }
0xa5: {  	s26 =	simm.s32 $execute0_lowered;
	[smem:$0x3FD2] =	sst s25  }
0xa6: {  	s5 =	sshll.u32 s26, $0x1;
	_ =	strace $0x80000049;
	[dreg:$0x1] =	wrdreg $0xFFFFFFFF  }
0xa7: {  	s28 =	simm.s32 $_size_execute0_lowered;
	s3 =	sadd.s32 s3, s5;
	[dreg:$0x0] =	wrdreg $0x0  }
0xa8: {  	s5 =	sshll.u32 s28, $0x1;
	[dreg:$0x2] =	wrdreg s3  }
0xa9: {  	[dreg:$0x3] =	wrdreg s5  }
0xaa: {  	[dreg:$0x4] =	wrdreg $0xC0  }
0xab: {  	_ =	task [dreg:s7], $0x5FFFF  }
0xac: {  	[dreg:$0x1] =	wrdreg $0xFFFFFFFF  }
0xad: {  	[dreg:$0x0] =	wrdreg $0x60  }
0xae: {  	[dreg:$0x2] =	wrdreg s24  }
0xaf: {  	[dreg:$0x3] =	wrdreg s2  }
0xb0: {  	[dreg:$0x4] =	wrdreg $0x40800  }
0xb1: {  	[dreg:$0x5] =	wrdreg $0x9  }
0xb2: {  	_ =	task.clear_ibuf [dreg:s7], $0x6FFFF;
	_ =	strace $0x90000049  }
0xb3: {  	s29 =	simm.s32 $0x9;
	_ =	strace $0x8000004B  }
0xb4: {  	_ =	swait.ge [sflag:s29], $0x1  }
0xb5: {  	[sflag:s29] =	ssyncadd.s32 $0xFFFFFFFF  }
0xb6: {  	_ =	strace $0x9000004B  }
0xb7: {  	_ =	sfence  }
0xb8: {  	s30 =	sld [smem:$0x0];
	_ =	sdelay $0x2  }
0xb9: {  	s31 =	sshll.u32 s1, $0xD;
	s1 =	sshrl.u32 s1, $0x2  }
0xba: {  	s3 =	sand.u32 $0x4000, s31;
	s1 =	sadd.s32 s1, s30  }
0xbb: {  	s0 =	sor.u32 s3, s0;
	s1 =	sshll.u32 s1, $0x11  }
0xbc: {  	s0 =	sor.u32 s1, s0  }
0xbd: {  	s0 =	sadd.s32 $0x8F2B, s0  }
0xbe: {  	[sflag:s0] =	ssyncadd.remote.s32 $0x1  }
0xbf: {  	_ =	sfence.sel $0xFFFF  }
0xc0: {  	[dreg:$0x0] =	wrdreg $0xFFFFFFFF;
	(pc) =	sbr.abs _section_cstart, $3  }
0xc1: {  	[dreg:$0x1] =	wrdreg $0xFFFFFFFF  }
0xc2: {  	_ =	task.clear_ibuf [dreg:s7], $0x2FFFF;
	_ =	strace $0x9FFFFFFF  }
0xc3: {  	(tm) =	ssettm $0x7FFFFFFF  }
tec
execute0_lowered:
.L_overlay_start_1:
0x0: {  	(tag) =	ssettag $0x1  }
0x1: {  	s0 =	stileid.u32  }
0x2: {  	s6 =	smul.u32 $0x4F000, s0  }
0x3: {  	s5 =	rddreg [dreg:$0x0];
	s8 =	smul.u32 $0x13880, s0  }
0x4: {  	s1 =	srdreg.scid;
	s10 =	smul.u32 $0x9E0, s0  }
0x5: {  	s2 =	rddreg [dreg:$0x1];
	s7 =	sand.u32 $0x1, s1;
	s14 =	smul.u32 $0x9E, s0  }
0x6: {  	s3 =	rddreg [dreg:$0x2];
	s9 =	smul.u32 $0x138800, s7  }
0x7: {  	s4 =	simm.s32 $0x0;
	s1 =	rddreg [dreg:$0x3];
	s12 =	smul.u32 $0x4F0, s7  }
0x8: {  	[smem:$0x7FF] =	sst s4;
	s29 =	sshll.u32 s0, $0x6;
	s26 =	smul.u32 $0x27800, s7  }
0x9: {  	s11 =	ssub.s32 $0x2, s7;
	_ =	strace $0x8000004A;
	s31 =	smul.u32 $0x4F, s7  }
0xa: {  	s6 =	sadd.s32 s6, s5;
	s10 =	sadd.s32 s10, s5;
	s25 =	sshrl.u32 s11, $0x1  }
0xb: {  	s13 =	sadd.s32 s8, s3;
	s9 =	sadd.s32 s8, s9;
	s11 =	ssub.s32 s11, s25  }
0xc: {  	s28 =	sadd.s32 s12, s10;
	s30 =	sadd.s32 s26, s6;
	s10 =	sadd.s32 s31, s14  }
0xd: {  	s12 =	simm.s32 $0x1;
	s9 =	sshrl.u32 s9, $0x3;
	s7 =	smax.u32 s11, $0x1  }
0xe: {  	s8 =	sadd.s32 $0x4200, s28;
	s11 =	sshrl.u32 s13, $0x3;
	s9 =	sadd.s32 s9, s5  }
0xf: {  	s5 =	sor.u32 $0x1C01, s29;
	s6 =	sadd.s32 $0xE000, s9;
	s9 =	sadd.s32 $0x13F1000, s30  }
.LBB2_1:
0x10: {  	[spmem:s11], [sflag:s5] =	dma.local [hbm:s2], $0x2710  }
0x11: {  	_ =	swait.ge [sflag:s12], $0x2710  }
0x12: {  	s13 =	sadd.s32 $0x0, s10;
	[sflag:s12] =	ssyncset.done $0x0  }
0x13: {  	p0 =	sgt.u32 s13, $0x9C3;
	[sflag:s12] =	ssyncadd.s32 $0xFFFFD8F0  }
0x14: {  	s13 =	simm.s32 @!p0 $0x0;
	s15 =	simm.s32 @!p0 $0x2;
	[bflag:$0x0] =	sbarrier.arrive $0xFFFF  }
0x15: {  	[tilespmem:s13], [sflag:$0x2] =	stream.linear.gather @!p0 [hbm4b:s8+s13], $0x80, $0x38;
	[tilespmem:$0x17900] =	vst v63  }
0x16: {  	_ =	swait.ge @!p0 [sflag:s15], $0x80  }
0x17: {  	[sflag:s15] =	ssyncset.done @!p0 $0x0;
	p0 =	por p0, p0  }
0x18: {  	[sflag:s15] =	ssyncadd.s32 @!p0 $0xFFFFFF80;
	s17 =	simm.s32 @!p0 $0x80  }
0x19: {  	[tilespmem:s17], [sflag:$0x2] =	stream.linear.gather @!p0 [hbm4b:s9+s13], $0x4000, $0x38;
	[tilespmem:$0x17900] =	vst v63  }
0x1a: {  	_ =	swait.ge @!p0 [sflag:s15], $0x4000  }
0x1b: {  	[sflag:s15] =	ssyncset.done @!p0 $0x0  }
0x1c: {  	s31 =	sadd.s32 $0x1, s10;
	s16 =	simm.s32 @!p0 $0x1;
	[sflag:s15] =	ssyncadd.s32 @!p0 $0xFFFFC000  }
0x1d: {  	[spmem:s3] =	stream.indirect.scatter.add.f32 @!p0 [tilespmem:s17], [sflag:$0x1], $0x80, s13, s17, $0xb8;
	[tilespmem:$0x17900] =	vst v63  }
0x1e: {  	s14 =	simm.s32 $0x2;
	p1 =	sgt.u32 s31, $0x9C3;
	_ =	swait.ge @!p0 [sflag:s16], $0x4000  }
0x1f: {  	s15 =	sadd.s32 $0x10, s8;
	s13 =	sadd.s32 $0x800, s9;
	[sflag:s16] =	ssyncset.done @!p0 $0x0  }
.LBB2_2:
0x20: {  	s17 =	simm.s32 @!p1 $0x0;
	s18 =	simm.s32 @!p1 $0x2;
	[sflag:s16] =	ssyncadd.s32 @!p0 $0xFFFFC000  }
0x21: {  	[tilespmem:s17], [sflag:$0x2] =	stream.linear.gather @!p1 [hbm4b:s15+s17], $0x80, $0x38;
	[tilespmem:$0x17900] =	vst v63  }
0x22: {  	s19 =	smov.u32 s14;
	s14 =	sadd.s32 $0x1, s14;
	_ =	swait.ge @!p1 [sflag:s18], $0x80  }
0x23: {  	p0 =	por p1, p1;
	p2 =	sne.s32 s14, $0x4F;
	[sflag:s18] =	ssyncset.done @!p1 $0x0  }
0x24: {  	s20 =	simm.s32 @!p0 $0x80;
	[sflag:s18] =	ssyncadd.s32 @!p0 $0xFFFFFF80  }
0x25: {  	[tilespmem:s20], [sflag:$0x2] =	stream.linear.gather @!p0 [hbm4b:s13+s17], $0x4000, $0x38;
	[tilespmem:$0x17900] =	vst v63  }
0x26: {  	_ =	swait.ge @!p0 [sflag:s18], $0x4000  }
.Ltmp0:
0x27: {  	[sflag:s18] =	ssyncset.done @!p0 $0x0;
	(pc) =	sbr.rel @p2 .LBB2_2-.Ltmp0, $4  }
0x28: {  	s16 =	simm.s32 @!p0 $0x1;
	[sflag:s18] =	ssyncadd.s32 @!p0 $0xFFFFC000  }
0x29: {  	[spmem:s3] =	stream.indirect.scatter.add.f32 @!p0 [tilespmem:s20], [sflag:$0x1], $0x80, s17, s20, $0xb8;
	[tilespmem:$0x17900] =	vst v63  }
0x2a: {  	s13 =	sadd.s32 $0x800, s13;
	s17 =	sadd.s32 s19, s10;
	_ =	swait.ge @!p0 [sflag:s16], $0x4000  }
0x2b: {  	s15 =	sadd.s32 $0x10, s15;
	p1 =	sgt.u32 s17, $0x9C3;
	[sflag:s16] =	ssyncset.done @!p0 $0x0  }
0x2c: {  	s14 =	simm.s32 @!p1 $0x0;
	s17 =	simm.s32 @!p1 $0x2;
	[sflag:s16] =	ssyncadd.s32 @!p0 $0xFFFFC000  }
0x2d: {  	[tilespmem:s14], [sflag:$0x2] =	stream.linear.gather @!p1 [hbm4b:s15+s14], $0x80, $0x38;
	[tilespmem:$0x17900] =	vst v63  }
0x2e: {  	_ =	swait.ge @!p1 [sflag:s17], $0x80  }
0x2f: {  	p0 =	por p1, p1;
	[sflag:s17] =	ssyncset.done @!p1 $0x0  }
0x30: {  	s15 =	simm.s32 @!p0 $0x80;
	[sflag:s17] =	ssyncadd.s32 @!p0 $0xFFFFFF80  }
0x31: {  	[tilespmem:s15], [sflag:$0x2] =	stream.linear.gather @!p0 [hbm4b:s13+s14], $0x4000, $0x38;
	[tilespmem:$0x17900] =	vst v63  }
0x32: {  	_ =	swait.ge @!p0 [sflag:s17], $0x4000  }
0x33: {  	[sflag:s17] =	ssyncset.done @!p0 $0x0  }
0x34: {  	s13 =	simm.s32 @!p0 $0x1;
	[sflag:s17] =	ssyncadd.s32 @!p0 $0xFFFFC000  }
0x35: {  	[spmem:s3] =	stream.indirect.scatter.add.f32 @!p0 [tilespmem:s15], [sflag:$0x1], $0x80, s14, s15, $0xb8;
	[tilespmem:$0x17900] =	vst v63  }
0x36: {  	_ =	swait.ge @!p0 [sflag:s13], $0x4000  }
0x37: {  	s4 =	sadd.s32 $0x1, s4;
	[sflag:s13] =	ssyncset.done @!p0 $0x0  }
0x38: {  	[sflag:s13] =	ssyncadd.s32 @!p0 $0xFFFFC000;
	p0 =	sne.s32 s4, s7  }
.Ltmp1:
0x39: {  	[bflag:$0x0] =	sbarrier.arrive $0xFFFF;
	(pc) =	sbr.rel @p0 .LBB2_1-.Ltmp1, $4  }
0x3a: {  	[hbm:s6], [sflag:s5] =	dma.local [spmem:s11], $0x2710  }
0x3b: {  	_ =	swait.ge [sflag:s12], $0x2710  }
0x3c: {  	[sflag:s12] =	ssyncset.done $0x0  }
0x3d: {  	[sflag:s12] =	ssyncadd.s32 $0xFFFFD8F0  }
0x3e: {  	_ =	sfence.sel $0x180000  }
0x3f: {  	[bflag:$0x0] =	sbarrier.arrive $0xFFFF  }
0x40: {  	p0 =	sne.s32 s0, $0x0;
	_ =	strace $0x9000004A  }
0x41: {  	s0 =	sadd.s32 @!p0 $0x100000, s1;
	[bflag:$0x2] =	sbarrier.arrive $0xFFFF  }
0x42: {  	[sflag:s0] =	ssyncadd.tile.s32 @!p0 $0x1;
	_ =	shalt  }
.Lfunc_end2:
_tile_overlayer_lowered:
.L_overlay_start_2:
0x43: {  	(tag) =	ssettag $0x2  }
0x44: {  	s0 =	rddreg [dreg:$0x0];
	s2 =	stileid.u32  }
0x45: {  	s1 =	rddreg [dreg:$0x1];
	p0 =	sne.s32 s2, $0x0  }
0x46: {  	s3 =	rddreg [dreg:$0x2];
	[bflag:$0x3] =	sbarrier.arrive $0xFFFF;
	s2 =	simm.s32 @!p0 $0x1C01  }
0x47: {  	[timem:s3], [sflag:s2] =	dma.local @!p0 [hbm:s0], s1  }
0x48: {  	s0 =	simm.s32 @!p0 $0x1  }
0x49: {  	_ =	swait.ge @!p0 [sflag:s0], s1  }
0x4a: {  	s1 =	ssub.s32 @!p0 $0x0, s1;
	[sflag:s0] =	ssyncset.done @!p0 $0x0  }
0x4b: {  	[sflag:s0] =	ssyncadd.s32 @!p0 s1  }
0x4c: {  	[bflag:$0x3] =	sbarrier.arrive $0xFFFF  }
0x4d: {  	_ =	shalt  }

// kernel: kernel.7.cloned.1.call-start
scs
__scs_entry_jumppad:
0x0: {  	(pc) =	sbr.rel $0x88, $3  }
0x1: {  	(tag) =	ssettag $0x0;
	lr =	simm.s32 $0x1  }
0x2: {  	[smem:$0x3F95] =	sst lr;
	_ =	strace $0xD0000000  }
0x3: {  	_ = 	snop  }
0x4: {  	_ = 	snop  }
0x5: {  	_ = 	snop  }
0x6: {  	_ = 	snop  }
0x7: {  	_ = 	snop  }
__scs_overlays_trampoline_lowered:
0x8: {  	[smem:$0x3FA4] =	sst s0  }
0x9: {  	[smem:$0x3FA5] =	sst s1  }
0xa: {  	[smem:$0x3FA6] =	sst s2  }
0xb: {  	[smem:$0x3FA7] =	sst s3  }
0xc: {  	[smem:$0x3FA8] =	sst s4  }
0xd: {  	[smem:$0x3FA9] =	sst s5  }
0xe: {  	[smem:$0x3FAA] =	sst s6  }
0xf: {  	[smem:$0x3FAB] =	sst s7  }
0x10: {  	[smem:$0x3FAC] =	sst s8  }
0x11: {  	[smem:$0x3FAD] =	sst s9;
	s0 =	simm.s32 @!p0 $0x0  }
0x12: {  	s1 =	sld [smem:$0x3F93];
	s0 =	simm.s32 @p0 $0x1  }
0x13: {  	[smem:$0x3FAE] =	sst s0;
	s0 =	simm.s32 @!p1 $0x0  }
0x14: {  	s2 =	sld [smem:$0x3F92];
	s0 =	simm.s32 @p1 $0x1  }
0x15: {  	[smem:$0x3FAF] =	sst s0;
	s0 =	simm.s32 @!p2 $0x0  }
0x16: {  	s3 =	sld [smem:$0x3FDB];
	s0 =	simm.s32 @p2 $0x1  }
0x17: {  	s4 =	simm.s32 $0x1BF5;
	[smem:$0x3FB1] =	sst s0  }
0x18: {  	s0 =	sld [smem:$0x3F94];
	_ =	swait.ge [sflag:s4], $0x0  }
0x19: {  	s7 =	sld [smem:$0x3F95]  }
0x1a: {  	s8 =	sadd.s32 $0xFFFFE003, lr  }
0x1b: {  	s9 =	sadd.s32 $0xFFFFFEF7, lr;
	s5 =	simm.s32 $0xFFFFFFFF;
	p2 =	slt.u32 s8, $0xFFFFF086  }
0x1c: {  	p1 =	slt.u32 s9, $0xF7A;
	s5 =	simm.s32 @!p2 $0x0  }
0x1d: {  	s5 =	simm.s32 @p1 $0x1;
	p0 =	seq.s32 s7, s2  }
0x1e: {  	s7 =	smul.u32 @!p0 $0xF7A, s2;
	p2 =	seq.s32 @!p0 s5, $0x0  }
0x1f: {  	s9 =	smul.u32 $0xF7A, s1;
	s8 =	simm.s32 @!p0 $0x1BF5;
	p2 =	por !p2, p0  }
0x20: {  	[sflag:s8] =	ssyncset.s32 @!p0 $0xFFFFF086;
	s6 =	sadd.s32 @!p0 s3, s7;
	s7 =	simm.s32 @!p0 $0x108  }
0x21: {  	s3 =	sadd.s32 s3, s9;
	s6 =	sadd.s32 @!p0 $0x88, s6;
	s7 =	simm.s32 @p2 $0x1082  }
0x22: {  	[simem:s7], [sflag:s8] =	dma.local @!p0 [hbm:s6], $0xF7A  }
0x23: {  	s9 =	sor.u32 $0xD0000000, s2;
	s6 =	simm.s32 $0x108;
	_ =	swait.ge @!p0 [sflag:s8], $0x0  }
0x24: {  	s3 =	sadd.s32 $0x88, s3;
	s6 =	simm.s32 @!p1 $0x1082;
	[sflag:s4] =	ssyncset.s32 $0xFFFFF086  }
0x25: {  	[simem:s6], [sflag:s4] =	dma.local [hbm:s3], $0xF7A  }
0x26: {  	[smem:$0x3F95] =	sst s1;
	(tag) =	ssettag s2;
	_ =	strace s9  }
0x27: {  	s1 =	sld [smem:$0x3FA5]  }
0x28: {  	s2 =	sld [smem:$0x3FA6]  }
0x29: {  	s4 =	sld [smem:$0x3FA8]  }
0x2a: {  	p0 =	seq.s32 s5, $0x0;
	s5 =	sld [smem:$0x3FA9]  }
0x2b: {  	s6 =	sld [smem:$0x3FAA]  }
0x2c: {  	s7 =	sld [smem:$0x3FAB]  }
0x2d: {  	s3 =	simm.s32 $0x108;
	s8 =	sld [smem:$0x3FAC]  }
0x2e: {  	s3 =	simm.s32 @!p0 $0x1082;
	s9 =	sld [smem:$0x3FAD]  }
0x2f: {  	lr =	sadd.s32 s0, s3;
	s0 =	sld [smem:$0x3FA4]  }
0x30: {  	s3 =	sld [smem:$0x3FA7]  }
0x31: {  	[smem:$0x3FB0] =	sst s10  }
0x32: {  	s10 =	sld [smem:$0x3FAE];
	_ =	sdelay $0x3  }
0x33: {  	p0 =	seq.s32 s10, $0x1;
	s10 =	sld [smem:$0x3FB0];
	_ =	sdelay $0x3  }
0x34: {  	[smem:$0x3FB0] =	sst s10  }
0x35: {  	s10 =	sld [smem:$0x3FAF];
	_ =	sdelay $0x3  }
0x36: {  	p1 =	seq.s32 s10, $0x1;
	s10 =	sld [smem:$0x3FB0];
	_ =	sdelay $0x3  }
0x37: {  	[smem:$0x3FB0] =	sst s10  }
0x38: {  	s10 =	sld [smem:$0x3FB1]  }
0x39: {  	_ = 	snop;
	(pc) =	sbr.ind lr, $3  }
0x3a: {  	_ = 	snop  }
0x3b: {  	_ = 	snop  }
0x3c: {  	p2 =	seq.s32 s10, $0x1;
	s10 =	sld [smem:$0x3FB0]  }
0x3d: {  	_ =	shalt  }
0x3e: {  	_ =	shalt  }
0x3f: {  	_ =	shalt  }
0x40: {  	_ =	shalt  }
0x41: {  	_ =	shalt  }
0x42: {  	_ =	shalt  }
0x43: {  	_ =	shalt  }
0x44: {  	_ =	shalt  }
0x45: {  	_ =	shalt  }
0x46: {  	_ =	shalt  }
0x47: {  	_ =	shalt  }
0x48: {  	_ =	shalt  }
0x49: {  	_ =	shalt  }
0x4a: {  	_ =	shalt  }
0x4b: {  	_ =	shalt  }
0x4c: {  	_ =	shalt  }
0x4d: {  	_ =	shalt  }
0x4e: {  	_ =	shalt  }
0x4f: {  	_ =	shalt  }
0x50: {  	_ =	shalt  }
0x51: {  	_ =	shalt  }
0x52: {  	_ =	shalt  }
0x53: {  	_ =	shalt  }
0x54: {  	_ =	shalt  }
0x55: {  	_ =	shalt  }
0x56: {  	_ =	shalt  }
0x57: {  	_ =	shalt  }
0x58: {  	_ =	shalt  }
0x59: {  	_ =	shalt  }
0x5a: {  	_ =	shalt  }
0x5b: {  	_ =	shalt  }
0x5c: {  	_ =	shalt  }
0x5d: {  	_ =	shalt  }
0x5e: {  	_ =	shalt  }
0x5f: {  	_ =	shalt  }
0x60: {  	_ =	shalt  }
0x61: {  	_ =	shalt  }
0x62: {  	_ =	shalt  }
0x63: {  	_ =	shalt  }
0x64: {  	_ =	shalt  }
0x65: {  	_ =	shalt  }
0x66: {  	_ =	shalt  }
0x67: {  	_ =	shalt  }
0x68: {  	_ =	shalt  }
0x69: {  	_ =	shalt  }
0x6a: {  	_ =	shalt  }
0x6b: {  	_ =	shalt  }
0x6c: {  	_ =	shalt  }
0x6d: {  	_ =	shalt  }
0x6e: {  	_ =	shalt  }
0x6f: {  	_ =	shalt  }
0x70: {  	_ =	shalt  }
0x71: {  	_ =	shalt  }
0x72: {  	_ =	shalt  }
0x73: {  	_ =	shalt  }
0x74: {  	_ =	shalt  }
0x75: {  	_ =	shalt  }
0x76: {  	_ =	shalt  }
0x77: {  	_ =	shalt  }
0x78: {  	_ =	shalt  }
0x79: {  	_ =	shalt  }
0x7a: {  	_ =	shalt  }
0x7b: {  	_ =	shalt  }
0x7c: {  	_ =	shalt  }
0x7d: {  	_ =	shalt  }
0x7e: {  	_ =	shalt  }
0x7f: {  	_ =	shalt  }
0x80: {  	_ =	shalt  }
0x81: {  	_ =	shalt  }
0x82: {  	_ =	shalt  }
0x83: {  	_ =	shalt  }
0x84: {  	_ =	shalt  }
0x85: {  	_ =	shalt  }
0x86: {  	_ =	shalt  }
0x87: {  	_ =	shalt  }
.Lfunc_end0:
.L_simem_size_0:
called_computation_lowered:
.L_overlay_start_0:
0x88: {  	s2 =	sld [smem:$0x3FD9]  }
0x89: {  	s3 =	sld [smem:$0x3FFE];
	_ =	sdelay $0x1  }
0x8a: {  	s1 =	srdreg.scid  }
0x8b: {  	s0 =	sand.u32 $0x1, s1  }
0x8c: {  	s17 =	sshll.u32 s0, $0xA;
	s2 =	sadd.s32 s3, s2  }
0x8d: {  	s2 =	sadd.s32 s2, s17  }
0x8e: {  	[smem:$0x3FBC] =	sst s2  }
0x8f: {  	_ = 	snop  }
0x90: {  	s2 =	sld [smem:$0x3FD0];
	(tm) =	ssettm $0x1  }
0x91: {  	s18 =	sld [smem:$0x3FFB];
	_ =	sdelay $0x3  }
0x92: {  	_ =	strace s18  }
0x93: {  	s3 =	sld [smem:$0x3FFC];
	_ =	sdelay $0x3  }
0x94: {  	_ =	strace s3  }
0x95: {  	s3 =	sld [smem:$0x3FFD];
	_ =	sdelay $0x3  }
0x96: {  	_ =	strace s3  }
0x97: {  	_ =	strace $0x8FFFFFFF  }
0x98: {  	s19 =	sld [smem:$0x3FDB];
	_ =	sdelay $0x1  }
0x99: {  	s4 =	simm.s32 $_scs_section_size  }
0x9a: {  	s5 =	simm.s32 $_size__tile_overlayer_lowered;
	s6 =	simm.s32 $_tile_overlayer_lowered  }
0x9b: {  	s22 =	simm.s32 $0x1BFF;
	s21 =	sshll.u32 s6, $0x1;
	s3 =	sadd.s32 s4, s19  }
0x9c: {  	s7 =	simm.s32 $0x0;
	s20 =	sshll.u32 s5, $0x1;
	s5 =	sadd.s32 s21, s3  }
0x9d: {  	[timem:s7], [sflag:s22] =	dma.local [hbm:s5], s20  }
0x9e: {  	_ =	swait.ge [sflag:s22], s20  }
0x9f: {  	s4 =	ssub.s32 $0x0, s20;
	[sflag:s22] =	ssyncset.done $0x0  }
0xa0: {  	[sflag:s22] =	ssyncadd.s32 s4;
	_ =	sdelay $0x1  }
0xa1: {  	s23 =	simm.s32 $0x1B8B  }
0xa2: {  	_ =	swait.ge [sflag:s23], $0x1  }
0xa3: {  	[sflag:s23] =	ssyncset.done $0x0  }
0xa4: {  	s25 =	simm.s32 $0x1B8E;
	s24 =	sld [smem:$0x3FFE];
	[sflag:s23] =	ssyncadd.s32 $0xFFFFFFFF  }
0xa5: {  	s26 =	simm.s32 $execute0_lowered;
	[smem:$0x3FD2] =	sst s25  }
0xa6: {  	s5 =	sshll.u32 s26, $0x1;
	_ =	strace $0x80000046;
	[dreg:$0x1] =	wrdreg $0xFFFFFFFF  }
0xa7: {  	s28 =	simm.s32 $_size_execute0_lowered;
	s3 =	sadd.s32 s3, s5;
	[dreg:$0x0] =	wrdreg $0x0  }
0xa8: {  	s5 =	sshll.u32 s28, $0x1;
	[dreg:$0x2] =	wrdreg s3  }
0xa9: {  	[dreg:$0x3] =	wrdreg s5  }
0xaa: {  	[dreg:$0x4] =	wrdreg $0xC0  }
0xab: {  	_ =	task [dreg:s7], $0x5FFFF  }
0xac: {  	[dreg:$0x1] =	wrdreg $0xFFFFFFFF  }
0xad: {  	[dreg:$0x0] =	wrdreg $0x60  }
0xae: {  	[dreg:$0x2] =	wrdreg s2  }
0xaf: {  	[dreg:$0x3] =	wrdreg s24  }
0xb0: {  	[dreg:$0x4] =	wrdreg $0x9  }
0xb1: {  	_ =	task.clear_ibuf [dreg:s7], $0x5FFFF;
	_ =	strace $0x90000046  }
0xb2: {  	s29 =	simm.s32 $0x9;
	_ =	strace $0x80000048  }
0xb3: {  	_ =	swait.ge [sflag:s29], $0x1  }
0xb4: {  	[sflag:s29] =	ssyncadd.s32 $0xFFFFFFFF  }
0xb5: {  	_ =	strace $0x90000048  }
0xb6: {  	_ =	sfence  }
0xb7: {  	s30 =	sld [smem:$0x0];
	_ =	sdelay $0x2  }
0xb8: {  	s31 =	sshll.u32 s1, $0xD;
	s1 =	sshrl.u32 s1, $0x2  }
0xb9: {  	s3 =	sand.u32 $0x4000, s31;
	s1 =	sadd.s32 s1, s30  }
0xba: {  	s0 =	sor.u32 s3, s0;
	s1 =	sshll.u32 s1, $0x11  }
0xbb: {  	s0 =	sor.u32 s1, s0  }
0xbc: {  	s0 =	sadd.s32 $0x8F2B, s0  }
0xbd: {  	[sflag:s0] =	ssyncadd.remote.s32 $0x1  }
0xbe: {  	_ =	sfence.sel $0xFFFF  }
0xbf: {  	[dreg:$0x0] =	wrdreg $0xFFFFFFFF;
	(pc) =	sbr.abs _section_cstart, $3  }
0xc0: {  	[dreg:$0x1] =	wrdreg $0xFFFFFFFF  }
0xc1: {  	_ =	task.clear_ibuf [dreg:s7], $0x2FFFF;
	_ =	strace $0x9FFFFFFF  }
0xc2: {  	(tm) =	ssettm $0x7FFFFFFF  }
0xc3: {  	_ =	shalt  }
tec
execute0_lowered:
.L_overlay_start_1:
0x0: {  	(tag) =	ssettag $0x1  }
0x1: {  	s2 =	rddreg [dreg:$0x0]  }
0x2: {  	s5 =	rddreg [dreg:$0x1]  }
0x3: {  	s0 =	rddreg [dreg:$0x2]  }
0x4: {  	s3 =	simm.s32 $0x0;
	s1 =	stileid.u32;
	s4 =	srdreg.scid  }
0x5: {  	s13 =	simm.s32 $0x4100;
	s14 =	simm.s32 $0x1;
	s15 =	simm.s32 $0x2  }
0x6: {  	s16 =	simm.s32 $0x0;
	[smem:$0x7FF] =	sst s3;
	s6 =	smul.u32 $0x9E0, s1  }
0x7: {  	s7 =	sand.u32 $0x1, s4;
	s8 =	smul.u32 $0x4F000, s1;
	s4 =	sadd.s32 $0x17E00, s5  }
0x8: {  	_ =	strace $0x80000047;
	s9 =	ssub.s32 $0x2, s7;
	s11 =	smul.u32 $0x27800, s7  }
0x9: {  	s29 =	smul.u32 $0x4F0, s7;
	s10 =	sshrl.u32 s9, $0x1;
	s8 =	sadd.s32 s8, s5  }
0xa: {  	s12 =	sadd.s32 s6, s5;
	s9 =	ssub.s32 s9, s10;
	s30 =	sadd.s32 s11, s8  }
0xb: {  	s31 =	sadd.s32 s29, s12;
	s10 =	simm.s32 $0x3;
	s11 =	simm.s32 $0x80  }
0xc: {  	s12 =	simm.s32 $0x100;
	s5 =	smax.u32 s9, $0x1;
	s6 =	sadd.s32 $0x52F000, s30  }
0xd: {  	s7 =	sadd.s32 $0x3F000, s30;
	s8 =	sadd.s32 $0xE000, s31;
	s9 =	sadd.s32 $0x4200, s31  }
.LBB2_1:
0xe: {  	s17 =	sadd.s32 $0x0, s9  }
0xf: {  	[tilespmem:s3], [sflag:$0x3] =	stream.linear.gather [hbm4b:s17+s3], $0x80, $0x38;
	[tilespmem:$0x8100] =	vst v63  }
0x10: {  	_ =	swait.ge [sflag:s10], $0x80  }
0x11: {  	[sflag:s10] =	ssyncset.done $0x0  }
0x12: {  	s31 =	sadd.s32 $0x0, s8;
	[sflag:s10] =	ssyncadd.s32 $0xFFFFFF80  }
0x13: {  	[tilespmem:s11], [sflag:$0x3] =	stream.linear.gather [hbm4b:s31+s3], $0x80, $0x38;
	[tilespmem:$0x8100] =	vst v63  }
0x14: {  	_ =	swait.ge [sflag:s10], $0x80  }
0x15: {  	[sflag:s10] =	ssyncset.done $0x0  }
0x16: {  	[sflag:s10] =	ssyncadd.s32 $0xFFFFFF80  }
0x17: {  	[tilespmem:s12], [sflag:$0x1] =	stream.indirect.gather [hbm4b:s2+s11], $0x80, s3, s11, $0xb8;
	[tilespmem:$0x8100] =	vst v63  }
0x18: {  	_ = 	snop  }
0x19: {  	[tilespmem:s13], [sflag:$0x2] =	stream.indirect.gather [hbm4b:s4+s11], $0x80, s11, s11, $0xb8;
	[tilespmem:$0x8100] =	vst v63  }
0x1a: {  	_ =	swait.ge [sflag:s14], $0x4000  }
0x1b: {  	[sflag:s14] =	ssyncset.done $0x0  }
0x1c: {  	[sflag:s14] =	ssyncadd.s32 $0xFFFFC000  }
0x1d: {  	_ =	swait.ge [sflag:s15], $0x4000  }
0x1e: {  	[sflag:s15] =	ssyncset.done $0x0  }
0x1f: {  	[sflag:s15] =	ssyncadd.s32 $0xFFFFC000  }
0x20: {  	[hbm4b:s7+s3] =	stream.linear.scatter [tilespmem:s12], [sflag:$0x3], $0x4000, $0x38;
	[tilespmem:$0x8100] =	vst v63  }
0x21: {  	_ =	swait.ge [sflag:s10], $0x4000  }
0x22: {  	[sflag:s10] =	ssyncset.done $0x0  }
0x23: {  	[sflag:s10] =	ssyncadd.s32 $0xFFFFC000  }
0x24: {  	[hbm4b:s6+s3] =	stream.linear.scatter [tilespmem:s13], [sflag:$0x3], $0x4000, $0x38;
	[tilespmem:$0x8100] =	vst v63  }
0x25: {  	s19 =	simm.s32 $0x10;
	s20 =	simm.s32 $0x20;
	_ =	swait.ge [sflag:s10], $0x4000  }
0x26: {  	s18 =	sadd.s32 $0x800, s7;
	s17 =	sadd.s32 $0x800, s6;
	[sflag:s10] =	ssyncset.done $0x0  }
.LBB2_2:
0x27: {  	s21 =	sadd.s32 s19, s9  }
0x28: {  	[sflag:s10] =	ssyncadd.s32 $0xFFFFC000;
	s22 =	smov.u32 s20;
	s23 =	sadd.s32 $0x10, s20  }
0x29: {  	[tilespmem:s3], [sflag:$0x3] =	stream.linear.gather [hbm4b:s21+s3], $0x80, $0x38;
	[tilespmem:$0x8100] =	vst v63  }
0x2a: {  	p0 =	sne.s32 s20, $0x4E0;
	_ =	swait.ge [sflag:s10], $0x80  }
0x2b: {  	[sflag:s10] =	ssyncset.done $0x0  }
0x2c: {  	s20 =	sadd.s32 s19, s8;
	s19 =	smov.u32 s22;
	[sflag:s10] =	ssyncadd.s32 $0xFFFFFF80  }
0x2d: {  	[tilespmem:s11], [sflag:$0x3] =	stream.linear.gather [hbm4b:s20+s3], $0x80, $0x38;
	[tilespmem:$0x8100] =	vst v63  }
0x2e: {  	_ =	swait.ge [sflag:s10], $0x80  }
0x2f: {  	[sflag:s10] =	ssyncset.done $0x0  }
0x30: {  	[sflag:s10] =	ssyncadd.s32 $0xFFFFFF80  }
0x31: {  	[tilespmem:s12], [sflag:$0x1] =	stream.indirect.gather [hbm4b:s2+s11], $0x80, s3, s11, $0xb8;
	[tilespmem:$0x8100] =	vst v63  }
0x32: {  	_ = 	snop  }
0x33: {  	[tilespmem:s13], [sflag:$0x2] =	stream.indirect.gather [hbm4b:s4+s11], $0x80, s11, s11, $0xb8;
	[tilespmem:$0x8100] =	vst v63  }
0x34: {  	_ =	swait.ge [sflag:s14], $0x4000  }
0x35: {  	[sflag:s14] =	ssyncset.done $0x0  }
0x36: {  	[sflag:s14] =	ssyncadd.s32 $0xFFFFC000  }
0x37: {  	_ =	swait.ge [sflag:s15], $0x4000  }
0x38: {  	[sflag:s15] =	ssyncset.done $0x0  }
0x39: {  	[sflag:s15] =	ssyncadd.s32 $0xFFFFC000  }
0x3a: {  	[hbm4b:s18+s3] =	stream.linear.scatter [tilespmem:s12], [sflag:$0x3], $0x4000, $0x38;
	[tilespmem:$0x8100] =	vst v63  }
0x3b: {  	_ =	swait.ge [sflag:s10], $0x4000  }
.Ltmp0:
0x3c: {  	[sflag:s10] =	ssyncset.done $0x0;
	(pc) =	sbr.rel @p0 .LBB2_2-.Ltmp0, $4  }
0x3d: {  	[sflag:s10] =	ssyncadd.s32 $0xFFFFC000  }
0x3e: {  	[hbm4b:s17+s3] =	stream.linear.scatter [tilespmem:s13], [sflag:$0x3], $0x4000, $0x38;
	[tilespmem:$0x8100] =	vst v63  }
0x3f: {  	s20 =	smov.u32 s23;
	_ =	swait.ge [sflag:s10], $0x4000  }
0x40: {  	s18 =	sadd.s32 $0x800, s18;
	s17 =	sadd.s32 $0x800, s17;
	[sflag:s10] =	ssyncset.done $0x0  }
0x41: {  	s20 =	sadd.s32 s19, s9;
	[sflag:s10] =	ssyncadd.s32 $0xFFFFC000  }
0x42: {  	[tilespmem:s3], [sflag:$0x3] =	stream.linear.gather [hbm4b:s20+s3], $0x80, $0x38;
	[tilespmem:$0x8100] =	vst v63  }
0x43: {  	_ =	swait.ge [sflag:s10], $0x80  }
0x44: {  	[sflag:s10] =	ssyncset.done $0x0  }
0x45: {  	s31 =	sadd.s32 s19, s8;
	[sflag:s10] =	ssyncadd.s32 $0xFFFFFF80  }
0x46: {  	[tilespmem:s11], [sflag:$0x3] =	stream.linear.gather [hbm4b:s31+s3], $0x80, $0x38;
	[tilespmem:$0x8100] =	vst v63  }
0x47: {  	_ =	swait.ge [sflag:s10], $0x80  }
0x48: {  	[sflag:s10] =	ssyncset.done $0x0  }
0x49: {  	[sflag:s10] =	ssyncadd.s32 $0xFFFFFF80  }
0x4a: {  	[tilespmem:s12], [sflag:$0x1] =	stream.indirect.gather [hbm4b:s2+s11], $0x80, s3, s11, $0xb8;
	[tilespmem:$0x8100] =	vst v63  }
0x4b: {  	_ = 	snop  }
0x4c: {  	[tilespmem:s13], [sflag:$0x2] =	stream.indirect.gather [hbm4b:s4+s11], $0x80, s11, s11, $0xb8;
	[tilespmem:$0x8100] =	vst v63  }
0x4d: {  	_ =	swait.ge [sflag:s14], $0x4000  }
0x4e: {  	[sflag:s14] =	ssyncset.done $0x0  }
0x4f: {  	[sflag:s14] =	ssyncadd.s32 $0xFFFFC000  }
0x50: {  	_ =	swait.ge [sflag:s15], $0x4000  }
0x51: {  	[sflag:s15] =	ssyncset.done $0x0  }
0x52: {  	[sflag:s15] =	ssyncadd.s32 $0xFFFFC000  }
0x53: {  	[hbm4b:s18+s3] =	stream.linear.scatter [tilespmem:s12], [sflag:$0x3], $0x4000, $0x38;
	[tilespmem:$0x8100] =	vst v63  }
0x54: {  	s16 =	sadd.s32 $0x1, s16;
	_ =	swait.ge [sflag:s10], $0x4000  }
0x55: {  	p0 =	sne.s32 s16, s5;
	[sflag:s10] =	ssyncset.done $0x0  }
.Ltmp1:
0x56: {  	[sflag:s10] =	ssyncadd.s32 $0xFFFFC000;
	(pc) =	sbr.rel @p0 .LBB2_1-.Ltmp1, $4  }
0x57: {  	[hbm4b:s17+s3] =	stream.linear.scatter [tilespmem:s13], [sflag:$0x3], $0x4000, $0x38;
	[tilespmem:$0x8100] =	vst v63  }
0x58: {  	_ =	swait.ge [sflag:s10], $0x4000  }
0x59: {  	[sflag:s10] =	ssyncset.done $0x0  }
0x5a: {  	[sflag:s10] =	ssyncadd.s32 $0xFFFFC000  }
0x5b: {  	_ =	sfence.sel $0x180000  }
0x5c: {  	[bflag:$0x0] =	sbarrier.arrive $0xFFFF  }
0x5d: {  	p0 =	sne.s32 s1, $0x0;
	_ =	strace $0x90000047  }
0x5e: {  	s0 =	sadd.s32 @!p0 $0x100000, s0;
	[bflag:$0x2] =	sbarrier.arrive $0xFFFF  }
0x5f: {  	[sflag:s0] =	ssyncadd.tile.s32 @!p0 $0x1;
	_ =	shalt  }
.Lfunc_end2:
_tile_overlayer_lowered:
.L_overlay_start_2:
0x60: {  	(tag) =	ssettag $0x2  }
0x61: {  	s0 =	rddreg [dreg:$0x0];
	s2 =	stileid.u32  }
0x62: {  	s1 =	rddreg [dreg:$0x1];
	p0 =	sne.s32 s2, $0x0  }
0x63: {  	s3 =	rddreg [dreg:$0x2];
	[bflag:$0x3] =	sbarrier.arrive $0xFFFF;
	s2 =	simm.s32 @!p0 $0x1C03  }
0x64: {  	[timem:s3], [sflag:s2] =	dma.local @!p0 [hbm:s0], s1  }
0x65: {  	s0 =	simm.s32 @!p0 $0x3  }
0x66: {  	_ =	swait.ge @!p0 [sflag:s0], s1  }
0x67: {  	s1 =	ssub.s32 @!p0 $0x0, s1;
	[sflag:s0] =	ssyncset.done @!p0 $0x0  }
0x68: {  	[sflag:s0] =	ssyncadd.s32 @!p0 s1  }
0x69: {  	[bflag:$0x3] =	sbarrier.arrive $0xFFFF  }
0x6a: {  	_ =	shalt  }

</sc_bundles>
